<compile_context>
chip_gen: v7x
topology: tpu7x:2x2x1
jax: 0.10.2.dev20260603
libtpu: 0.0.44.dev20260713+nightly
codegen_flags: <defaults>
</compile_context>

<pallas_src>
import functools
import math

import jax
import jax.numpy as jnp
from jax import lax
from jax.experimental import pallas as pl
from jax.experimental.pallas import tpu as pltpu
from jax.experimental.pallas import tpu_sc as plsc

_MARGIN = 1.0
_MYLAMBDA = 1.0
_LR_DUAL = 0.001

_ROW_TILE = 512
_SQRT_LOG2E = math.sqrt(math.log2(math.e))
_LN2 = math.log(2.0)


def _dest_body(b, yt_r, dest_ref, pc_ref):
    yt = yt_r[...]
    posf = (yt == 1).astype(jnp.int32)
    colid = lax.broadcasted_iota(jnp.int32, (1, b), 1)
    cpos_incl = posf
    s = 1
    while s < b:
        sh = pltpu.roll(cpos_incl, s, 1)
        cpos_incl = cpos_incl + jnp.where(colid >= s, sh, 0)
        s *= 2
    cpos_excl = cpos_incl - posf
    p = jnp.sum(posf)
    negdest = p + colid - cpos_excl
    dest_ref[...] = jnp.where(posf == 1, cpos_excl, negdest)
    pc_ref[...] = jnp.full((1, 1), p, jnp.int32)


def _tc_dest(yt_row):
    b = yt_row.shape[1]
    return pl.pallas_call(
        functools.partial(_dest_body, b),
        out_shape=(
            jax.ShapeDtypeStruct((1, b), jnp.int32),
            jax.ShapeDtypeStruct((1, 1), jnp.int32),
        ),
    )(yt_row)


def _sc_route(yp_f, dest_f, idx_f, nu_flat):
    info = plsc.get_sparse_core_info()
    nw = info.num_cores * info.num_subcores
    b = yp_f.shape[0]
    bw = b // nw
    mesh = plsc.VectorSubcoreMesh(core_axis_name="c", subcore_axis_name="s")

    @functools.partial(
        pl.kernel,
        out_type=(
            jax.ShapeDtypeStruct((b,), jnp.float32),
            jax.ShapeDtypeStruct((b,), jnp.float32),
        ),
        mesh=mesh,
        scratch_types=[
            pltpu.VMEM_SHARED((b,), jnp.int32),
            pltpu.VMEM((bw,), jnp.int32),
            pltpu.VMEM((bw,), jnp.int32),
            pltpu.VMEM((bw,), jnp.int32),
            pltpu.VMEM((bw,), jnp.float32),
            pltpu.VMEM((bw,), jnp.int32),
            pltpu.VMEM((bw,), jnp.float32),
            pltpu.SemaphoreType.DMA,
        ],
    )
    def k(yp_hbm, dest_hbm, idx_hbm, nu_hbm, ypp_hbm, nup_hbm,
          inv_sh, dest_v, gid_v, src_v, ypv, idxv, nuv, sem):
        cid = lax.axis_index("c")
        sid = lax.axis_index("s")
        wid = sid * info.num_cores + cid
        base = wid * bw
        lane = lax.iota(jnp.int32, 16)

        for h in range(info.num_cores):
            q = sid * info.num_cores + h
            qbase = q * bw
            pltpu.sync_copy(dest_hbm.at[pl.ds(qbase, bw)], dest_v)
            for r in range(bw // 16):
                gid_v[pl.ds(r * 16, 16)] = (
                    jnp.full((16,), qbase + r * 16, jnp.int32) + lane)
            pltpu.sync_copy(gid_v, inv_sh.at[dest_v])
        plsc.subcore_barrier()

        pltpu.sync_copy(inv_sh.at[pl.ds(base, bw)], src_v)
        pltpu.async_copy(yp_hbm.at[src_v], ypv, sem).wait()
        pltpu.async_copy(idx_hbm.at[src_v], idxv, sem).wait()
        pltpu.async_copy(nu_hbm.at[idxv], nuv, sem).wait()
        pltpu.sync_copy(ypv, ypp_hbm.at[pl.ds(base, bw)])
        pltpu.sync_copy(nuv, nup_hbm.at[pl.ds(base, bw)])

    return k(yp_f, dest_f, idx_f, nu_flat)


def _tc_body(nsteps, ti, b, p_ref, yp_c, yp_r, yt_r, nu_c, out_ref):
    i = pl.program_id(0)
    p = p_ref[0]

    @pl.when(i == 0)
    def _():
        out_ref[...] = jnp.zeros_like(out_ref)

    @pl.when(i * ti < p)
    def _():
        ypi = yp_c[...]
        fall = yp_r[...]
        fallc = (_MARGIN + fall) * _SQRT_LOG2E
        ypic = ypi * _SQRT_LOG2E
        diff = fallc - ypic
        relu = jnp.maximum(diff, 0.0)
        sq2 = relu * relu
        negj = yt_r[...] == 0
        sq2m = jnp.where(negj, sq2, -jnp.inf)
        e = jnp.exp2(sq2m)
        s = jnp.sum(e, axis=1, keepdims=True)

        nneg = (b - p).astype(jnp.float32)
        el = s / nneg
        n0 = nu_c[...]
        m = jnp.where(n0 == 0.0, jnp.log(el), n0)
        d = m + (_MYLAMBDA * _LR_DUAL) * (el * jnp.exp(-m) - 1.0)
        w = e * (jnp.exp(-d) * _LN2)
        ws = w * sq2
        tsum = jnp.sum(ws, axis=1, keepdims=True)
        gid = i * ti + lax.broadcasted_iota(jnp.int32, (ti, 1), 0)
        partial = jnp.sum(jnp.where(gid < p, tsum, 0.0))
        out_ref[...] = out_ref[...] + partial

    @pl.when(i == nsteps - 1)
    def _():
        pf = p.astype(jnp.float32)
        nf = (b - p).astype(jnp.float32)
        out_ref[...] = out_ref[...] / (pf * nf)


def kernel(y_pred, y_true, index, nu):
    b = y_pred.shape[0]
    yp_f = y_pred.reshape(-1)
    yt_row = y_true.reshape(1, b).astype(jnp.int32)
    idx_f = index.reshape(-1).astype(jnp.int32)
    dest, pcount = _tc_dest(yt_row)
    yp_perm, nu_perm = _sc_route(yp_f, dest.reshape(-1), idx_f,
                                 nu.reshape(-1))

    ti = _ROW_TILE
    nsteps = b // ti
    grid_spec = pltpu.PrefetchScalarGridSpec(
        num_scalar_prefetch=1,
        grid=(nsteps,),
        in_specs=[
            pl.BlockSpec((ti, 1), lambda i, *_: (i, 0)),
            pl.BlockSpec((1, b), lambda i, *_: (0, 0)),
            pl.BlockSpec((1, b), lambda i, *_: (0, 0)),
            pl.BlockSpec((ti, 1), lambda i, *_: (i, 0)),
        ],
        out_specs=pl.BlockSpec((1, 1), lambda i, *_: (0, 0)),
    )
    out = pl.pallas_call(
        functools.partial(_tc_body, nsteps, ti, b),
        grid_spec=grid_spec,
        out_shape=jax.ShapeDtypeStruct((1, 1), jnp.float32),
    )(pcount.reshape(1), yp_perm.reshape(b, 1), y_pred.reshape(1, b),
      yt_row, nu_perm.reshape(b, 1))
    return out.reshape(())

# --- scband reference (transcript-rebuilt; emitter-appended) ---
"""Pipeline reference for scband-asgd-67405216744110 (READ-ONLY COPY).

The authoritative reference and input builder live on the scoring server;
editing this copy changes nothing except your own understanding.
"""

import jax, jax.numpy as jnp
import numpy as np

DATA_LEN = 1000000
MARGIN = 1.0
MYLAMBDA = 1.0
LR_DUAL = 0.001


def setup_inputs(seed: int = 0) -> dict:
    key = jax.random.key(seed)
    k1, k2 = jax.random.split(key)
    B = 4096
    y_pred = jax.random.normal(k1, (B, 1), dtype=jnp.float32)
    y_true = jax.random.randint(k2, (B, 1), 0, 2)
    index = jnp.arange(B, dtype=jnp.int32)
    nu = jnp.zeros((DATA_LEN, 1), dtype=jnp.float32)  # dual-variable buffer, initial state of ASGD
    return {"y_pred": y_pred, "y_true": y_true, "index": index, "nu": nu}


def reference(y_pred, y_true, index, nu):
    # check_tensor_shape equivalents
    y_pred = y_pred.reshape(-1, 1)
    y_true_flat = y_true.reshape(-1)
    index_flat = index.reshape(-1)
    pos_mask = y_true_flat == 1
    neg_mask = y_true_flat == 0
    P = jnp.sum(pos_mask.astype(jnp.float32))
    N = jnp.sum(neg_mask.astype(jnp.float32))
    f_all = y_pred.reshape(-1)                          # [B]
    # squared hinge surrogate: max(margin - (f_i - f_j), 0)^2  -> [B, B]
    surr_loss = jnp.maximum(MARGIN - (y_pred - f_all), 0.0) ** 2
    exp_terms = jnp.where(neg_mask[None, :], jnp.exp(surr_loss / MYLAMBDA), 0.0)
    expLoss1 = jax.lax.stop_gradient(jnp.sum(exp_terms, axis=1) / N)  # [B], valid on pos rows
    # init step: nu[idx] = log(expLoss1) where nu[idx] == 0 (index is unique so set is well-defined)
    safe_idx = jnp.where(pos_mask, index_flat, DATA_LEN)  # out-of-bounds sentinel for non-positive rows
    nu_sel = nu.at[safe_idx, 0].get(mode="clip")
    pos_init = nu_sel == 0.0
    nu = nu.at[safe_idx, 0].set(jnp.where(pos_init, jnp.log(expLoss1), nu_sel), mode="drop")
    # first moving-average correction and dual update (scatter-add)
    log_numerator = jnp.log(expLoss1)[:, None]          # [B, 1]
    log_denominator = nu.at[safe_idx].get(mode="clip")  # [B, 1]
    new_loss = jnp.exp(log_numerator - log_denominator)
    nu = nu.at[safe_idx].add(MYLAMBDA * LR_DUAL * (jax.lax.stop_gradient(new_loss) - 1.0), mode="drop")
    # final loss
    v = surr_loss / MYLAMBDA - nu.at[safe_idx].get(mode="clip")  # [B, B] via broadcast
    new_loss2 = jnp.exp(v)
    pair_mask = pos_mask[:, None] & neg_mask[None, :]
    weighted = jnp.where(pair_mask, jax.lax.stop_gradient(new_loss2) * surr_loss, 0.0)
    final_loss = jnp.sum(weighted) / (P * N)
    return final_loss

if __name__ == "__main__":
    import jax
    _d = setup_inputs()
    print(jax.jit(kernel)(*tuple(_d.values())))

</pallas_src>

<mosaic_0001>
#map = affine_map<(d0, d1) -> (0)>
module attributes {stable_mosaic.version = 14 : i64} {
  func.func @k(%arg0: i32, %arg1: i32, %arg2: memref<4096xf32, #tpu.memory_space<hbm>>, %arg3: memref<4096xi32, #tpu.memory_space<hbm>>, %arg4: memref<4096xi32, #tpu.memory_space<hbm>>, %arg5: memref<1000000xf32, #tpu.memory_space<hbm>>, %arg6: memref<4096xf32, #tpu.memory_space<hbm>>, %arg7: memref<4096xf32, #tpu.memory_space<hbm>>, %arg8: memref<4096xi32, #tpu.memory_space<vmem_shared>>, %arg9: memref<128xi32, #tpu.memory_space<vmem>>, %arg10: memref<128xi32, #tpu.memory_space<vmem>>, %arg11: memref<128xi32, #tpu.memory_space<vmem>>, %arg12: memref<128xf32, #tpu.memory_space<vmem>>, %arg13: memref<128xi32, #tpu.memory_space<vmem>>, %arg14: memref<128xf32, #tpu.memory_space<vmem>>, %arg15: memref<!tpu.dma_semaphore, #tpu.memory_space<semaphore_mem>>) attributes {dimension_semantics = [#tpu.dimension_semantics<core_parallel>, #tpu.dimension_semantics<subcore_parallel>], iteration_bounds = array<i64: 2, 16>, scalar_prefetch = 0 : i64, scratch_operands = 8 : i64, tpu.core_type = #tpu.core_type<sc_vector_subcore>, window_params = [{transform_indices = #map}, {transform_indices = #map}, {transform_indices = #map}, {transform_indices = #map}, {transform_indices = #map}, {transform_indices = #map}]} {
    %mul3A = arith.constant 2 : i32
    %mul3A_0 = arith.muli %arg1, %mul3A : i32
    %add3A = arith.addi %mul3A_0, %arg0 : i32
    %mul3A_1 = arith.constant 128 : i32
    %mul3A_2 = arith.muli %add3A, %mul3A_1 : i32
    %iota3A = tpu.iota {dimensions = array<i32: 0>} : vector<16xi32>
    %mul3A_3 = arith.constant 2 : i32
    %mul3A_4 = arith.muli %arg1, %mul3A_3 : i32
    %add3A_5 = arith.constant 0 : i32
    %add3A_6 = arith.addi %mul3A_4, %add3A_5 : i32
    %mul3A_7 = arith.constant 128 : i32
    %mul3A_8 = arith.muli %add3A_6, %mul3A_7 : i32
    "tpu.region"() ({
      %run_scoped3A = tpu.sem_alloc : memref<!tpu.dma_semaphore, #tpu.memory_space<semaphore_mem>>
      %dma_start3A_151 = tpu.memref_slice %arg3[%mul3A_8] : memref<4096xi32, #tpu.memory_space<hbm>> -> memref<128xi32, #tpu.memory_space<hbm>>
      %dma_start3A_152 = tpu.memref_slice %arg3[%mul3A_8] : memref<4096xi32, #tpu.memory_space<hbm>> -> memref<128xi32, #tpu.memory_space<hbm>>
      tpu.enqueue_dma source(%dma_start3A_152 : memref<128xi32, #tpu.memory_space<hbm>>) target(%arg9 : memref<128xi32, #tpu.memory_space<vmem>>) target_semaphore(%run_scoped3A : memref<!tpu.dma_semaphore, #tpu.memory_space<semaphore_mem>>)
      %dma_wait3A_153 = tpu.memref_slice %arg3[%mul3A_8] : memref<4096xi32, #tpu.memory_space<hbm>> -> memref<128xi32, #tpu.memory_space<hbm>>
      %dma_wait3A_154 = tpu.memref_slice %arg3[%mul3A_8] : memref<4096xi32, #tpu.memory_space<hbm>> -> memref<128xi32, #tpu.memory_space<hbm>>
      tpu.wait_dma2 semaphore(%run_scoped3A : memref<!tpu.dma_semaphore, #tpu.memory_space<semaphore_mem>>) src(%dma_wait3A_154 : memref<128xi32, #tpu.memory_space<hbm>>) dst(%arg9 : memref<128xi32, #tpu.memory_space<vmem>>)
      tpu.yield
    }) : () -> ()
    %add3A_9 = arith.constant 0 : i32
    %add3A_10 = arith.addi %mul3A_8, %add3A_9 : i32
    %broadcast_in_dim3A = vector.broadcast %add3A_10 : i32 to vector<16xi32>
    %add3A_11 = arith.addi %broadcast_in_dim3A, %iota3A : vector<16xi32>
    %swap3A = arith.constant 0 : index
    %swap3A_12 = tpu.vector_load %arg10[%swap3A] {strides = array<i32>} : memref<128xi32, #tpu.memory_space<vmem>>, vector<16xi32>,
    %swap3A_13 = vector.shape_cast %swap3A_12 : vector<16xi32> to vector<16xi32>
    %swap3A_14 = vector.shape_cast %add3A_11 : vector<16xi32> to vector<16xi32>
    tpu.vector_store %arg10[%swap3A], %swap3A_14 {strides = array<i32>} : memref<128xi32, #tpu.memory_space<vmem>>, vector<16xi32>,
    %add3A_15 = arith.constant 16 : i32
    %add3A_16 = arith.addi %mul3A_8, %add3A_15 : i32
    %broadcast_in_dim3A_17 = vector.broadcast %add3A_16 : i32 to vector<16xi32>
    %add3A_18 = arith.addi %broadcast_in_dim3A_17, %iota3A : vector<16xi32>
    %swap3A_19 = arith.constant 16 : index
    %swap3A_20 = tpu.vector_load %arg10[%swap3A_19] {strides = array<i32>} : memref<128xi32, #tpu.memory_space<vmem>>, vector<16xi32>,
    %swap3A_21 = vector.shape_cast %swap3A_20 : vector<16xi32> to vector<16xi32>
    %swap3A_22 = vector.shape_cast %add3A_18 : vector<16xi32> to vector<16xi32>
    tpu.vector_store %arg10[%swap3A_19], %swap3A_22 {strides = array<i32>} : memref<128xi32, #tpu.memory_space<vmem>>, vector<16xi32>,
    %add3A_23 = arith.constant 32 : i32
    %add3A_24 = arith.addi %mul3A_8, %add3A_23 : i32
    %broadcast_in_dim3A_25 = vector.broadcast %add3A_24 : i32 to vector<16xi32>
    %add3A_26 = arith.addi %broadcast_in_dim3A_25, %iota3A : vector<16xi32>
    %swap3A_27 = arith.constant 32 : index
    %swap3A_28 = tpu.vector_load %arg10[%swap3A_27] {strides = array<i32>} : memref<128xi32, #tpu.memory_space<vmem>>, vector<16xi32>,
    %swap3A_29 = vector.shape_cast %swap3A_28 : vector<16xi32> to vector<16xi32>
    %swap3A_30 = vector.shape_cast %add3A_26 : vector<16xi32> to vector<16xi32>
    tpu.vector_store %arg10[%swap3A_27], %swap3A_30 {strides = array<i32>} : memref<128xi32, #tpu.memory_space<vmem>>, vector<16xi32>,
    %add3A_31 = arith.constant 48 : i32
    %add3A_32 = arith.addi %mul3A_8, %add3A_31 : i32
    %broadcast_in_dim3A_33 = vector.broadcast %add3A_32 : i32 to vector<16xi32>
    %add3A_34 = arith.addi %broadcast_in_dim3A_33, %iota3A : vector<16xi32>
    %swap3A_35 = arith.constant 48 : index
    %swap3A_36 = tpu.vector_load %arg10[%swap3A_35] {strides = array<i32>} : memref<128xi32, #tpu.memory_space<vmem>>, vector<16xi32>,
    %swap3A_37 = vector.shape_cast %swap3A_36 : vector<16xi32> to vector<16xi32>
    %swap3A_38 = vector.shape_cast %add3A_34 : vector<16xi32> to vector<16xi32>
    tpu.vector_store %arg10[%swap3A_35], %swap3A_38 {strides = array<i32>} : memref<128xi32, #tpu.memory_space<vmem>>, vector<16xi32>,
    %add3A_39 = arith.constant 64 : i32
    %add3A_40 = arith.addi %mul3A_8, %add3A_39 : i32
    %broadcast_in_dim3A_41 = vector.broadcast %add3A_40 : i32 to vector<16xi32>
    %add3A_42 = arith.addi %broadcast_in_dim3A_41, %iota3A : vector<16xi32>
    %swap3A_43 = arith.constant 64 : index
    %swap3A_44 = tpu.vector_load %arg10[%swap3A_43] {strides = array<i32>} : memref<128xi32, #tpu.memory_space<vmem>>, vector<16xi32>,
    %swap3A_45 = vector.shape_cast %swap3A_44 : vector<16xi32> to vector<16xi32>
    %swap3A_46 = vector.shape_cast %add3A_42 : vector<16xi32> to vector<16xi32>
    tpu.vector_store %arg10[%swap3A_43], %swap3A_46 {strides = array<i32>} : memref<128xi32, #tpu.memory_space<vmem>>, vector<16xi32>,
    %add3A_47 = arith.constant 80 : i32
    %add3A_48 = arith.addi %mul3A_8, %add3A_47 : i32
    %broadcast_in_dim3A_49 = vector.broadcast %add3A_48 : i32 to vector<16xi32>
    %add3A_50 = arith.addi %broadcast_in_dim3A_49, %iota3A : vector<16xi32>
    %swap3A_51 = arith.constant 80 : index
    %swap3A_52 = tpu.vector_load %arg10[%swap3A_51] {strides = array<i32>} : memref<128xi32, #tpu.memory_space<vmem>>, vector<16xi32>,
    %swap3A_53 = vector.shape_cast %swap3A_52 : vector<16xi32> to vector<16xi32>
    %swap3A_54 = vector.shape_cast %add3A_50 : vector<16xi32> to vector<16xi32>
    tpu.vector_store %arg10[%swap3A_51], %swap3A_54 {strides = array<i32>} : memref<128xi32, #tpu.memory_space<vmem>>, vector<16xi32>,
    %add3A_55 = arith.constant 96 : i32
    %add3A_56 = arith.addi %mul3A_8, %add3A_55 : i32
    %broadcast_in_dim3A_57 = vector.broadcast %add3A_56 : i32 to vector<16xi32>
    %add3A_58 = arith.addi %broadcast_in_dim3A_57, %iota3A : vector<16xi32>
    %swap3A_59 = arith.constant 96 : index
    %swap3A_60 = tpu.vector_load %arg10[%swap3A_59] {strides = array<i32>} : memref<128xi32, #tpu.memory_space<vmem>>, vector<16xi32>,
    %swap3A_61 = vector.shape_cast %swap3A_60 : vector<16xi32> to vector<16xi32>
    %swap3A_62 = vector.shape_cast %add3A_58 : vector<16xi32> to vector<16xi32>
    tpu.vector_store %arg10[%swap3A_59], %swap3A_62 {strides = array<i32>} : memref<128xi32, #tpu.memory_space<vmem>>, vector<16xi32>,
    %add3A_63 = arith.constant 112 : i32
    %add3A_64 = arith.addi %mul3A_8, %add3A_63 : i32
    %broadcast_in_dim3A_65 = vector.broadcast %add3A_64 : i32 to vector<16xi32>
    %add3A_66 = arith.addi %broadcast_in_dim3A_65, %iota3A : vector<16xi32>
    %swap3A_67 = arith.constant 112 : index
    %swap3A_68 = tpu.vector_load %arg10[%swap3A_67] {strides = array<i32>} : memref<128xi32, #tpu.memory_space<vmem>>, vector<16xi32>,
    %swap3A_69 = vector.shape_cast %swap3A_68 : vector<16xi32> to vector<16xi32>
    %swap3A_70 = vector.shape_cast %add3A_66 : vector<16xi32> to vector<16xi32>
    tpu.vector_store %arg10[%swap3A_67], %swap3A_70 {strides = array<i32>} : memref<128xi32, #tpu.memory_space<vmem>>, vector<16xi32>,
    "tpu.region"() ({
      %run_scoped3A = tpu.sem_alloc : memref<!tpu.dma_semaphore, #tpu.memory_space<semaphore_mem>>
      %dma_start3A_151 = arith.constant 0 : i32
      %dma_start3A_152 = tpu.memref_slice %arg8[%dma_start3A_151] : memref<4096xi32, #tpu.memory_space<vmem_shared>> -> memref<4096xi32, #tpu.memory_space<vmem_shared>>
      tpu.enqueue_indirect_dma source(%arg10 : memref<128xi32, #tpu.memory_space<vmem>>) target(%dma_start3A_152 : memref<4096xi32, #tpu.memory_space<vmem_shared>>) offsets(%arg9 : memref<128xi32, #tpu.memory_space<vmem>>) semaphore(%run_scoped3A : memref<!tpu.dma_semaphore, #tpu.memory_space<semaphore_mem>>)
      %dma_wait3A_153 = arith.constant 0 : i32
      %dma_wait3A_154 = tpu.memref_slice %arg8[%dma_wait3A_153] : memref<4096xi32, #tpu.memory_space<vmem_shared>> -> memref<4096xi32, #tpu.memory_space<vmem_shared>>
      tpu.wait_indirect_dma semaphore(%run_scoped3A : memref<!tpu.dma_semaphore, #tpu.memory_space<semaphore_mem>>) src(%arg10 : memref<128xi32, #tpu.memory_space<vmem>>) dst(%dma_wait3A_154 : memref<4096xi32, #tpu.memory_space<vmem_shared>>)
      tpu.yield
    }) : () -> ()
    %mul3A_71 = arith.constant 2 : i32
    %mul3A_72 = arith.muli %arg1, %mul3A_71 : i32
    %add3A_73 = arith.constant 1 : i32
    %add3A_74 = arith.addi %mul3A_72, %add3A_73 : i32
    %mul3A_75 = arith.constant 128 : i32
    %mul3A_76 = arith.muli %add3A_74, %mul3A_75 : i32
    "tpu.region"() ({
      %run_scoped3A = tpu.sem_alloc : memref<!tpu.dma_semaphore, #tpu.memory_space<semaphore_mem>>
      %dma_start3A_151 = tpu.memref_slice %arg3[%mul3A_76] : memref<4096xi32, #tpu.memory_space<hbm>> -> memref<128xi32, #tpu.memory_space<hbm>>
      %dma_start3A_152 = tpu.memref_slice %arg3[%mul3A_76] : memref<4096xi32, #tpu.memory_space<hbm>> -> memref<128xi32, #tpu.memory_space<hbm>>
      tpu.enqueue_dma source(%dma_start3A_152 : memref<128xi32, #tpu.memory_space<hbm>>) target(%arg9 : memref<128xi32, #tpu.memory_space<vmem>>) target_semaphore(%run_scoped3A : memref<!tpu.dma_semaphore, #tpu.memory_space<semaphore_mem>>)
      %dma_wait3A_153 = tpu.memref_slice %arg3[%mul3A_76] : memref<4096xi32, #tpu.memory_space<hbm>> -> memref<128xi32, #tpu.memory_space<hbm>>
      %dma_wait3A_154 = tpu.memref_slice %arg3[%mul3A_76] : memref<4096xi32, #tpu.memory_space<hbm>> -> memref<128xi32, #tpu.memory_space<hbm>>
      tpu.wait_dma2 semaphore(%run_scoped3A : memref<!tpu.dma_semaphore, #tpu.memory_space<semaphore_mem>>) src(%dma_wait3A_154 : memref<128xi32, #tpu.memory_space<hbm>>) dst(%arg9 : memref<128xi32, #tpu.memory_space<vmem>>)
      tpu.yield
    }) : () -> ()
    %add3A_77 = arith.constant 0 : i32
    %add3A_78 = arith.addi %mul3A_76, %add3A_77 : i32
    %broadcast_in_dim3A_79 = vector.broadcast %add3A_78 : i32 to vector<16xi32>
    %add3A_80 = arith.addi %broadcast_in_dim3A_79, %iota3A : vector<16xi32>
    %swap3A_81 = arith.constant 0 : index
    %swap3A_82 = tpu.vector_load %arg10[%swap3A_81] {strides = array<i32>} : memref<128xi32, #tpu.memory_space<vmem>>, vector<16xi32>,
    %swap3A_83 = vector.shape_cast %swap3A_82 : vector<16xi32> to vector<16xi32>
    %swap3A_84 = vector.shape_cast %add3A_80 : vector<16xi32> to vector<16xi32>
    tpu.vector_store %arg10[%swap3A_81], %swap3A_84 {strides = array<i32>} : memref<128xi32, #tpu.memory_space<vmem>>, vector<16xi32>,
    %add3A_85 = arith.constant 16 : i32
    %add3A_86 = arith.addi %mul3A_76, %add3A_85 : i32
    %broadcast_in_dim3A_87 = vector.broadcast %add3A_86 : i32 to vector<16xi32>
    %add3A_88 = arith.addi %broadcast_in_dim3A_87, %iota3A : vector<16xi32>
    %swap3A_89 = arith.constant 16 : index
    %swap3A_90 = tpu.vector_load %arg10[%swap3A_89] {strides = array<i32>} : memref<128xi32, #tpu.memory_space<vmem>>, vector<16xi32>,
    %swap3A_91 = vector.shape_cast %swap3A_90 : vector<16xi32> to vector<16xi32>
    %swap3A_92 = vector.shape_cast %add3A_88 : vector<16xi32> to vector<16xi32>
    tpu.vector_store %arg10[%swap3A_89], %swap3A_92 {strides = array<i32>} : memref<128xi32, #tpu.memory_space<vmem>>, vector<16xi32>,
    %add3A_93 = arith.constant 32 : i32
    %add3A_94 = arith.addi %mul3A_76, %add3A_93 : i32
    %broadcast_in_dim3A_95 = vector.broadcast %add3A_94 : i32 to vector<16xi32>
    %add3A_96 = arith.addi %broadcast_in_dim3A_95, %iota3A : vector<16xi32>
    %swap3A_97 = arith.constant 32 : index
    %swap3A_98 = tpu.vector_load %arg10[%swap3A_97] {strides = array<i32>} : memref<128xi32, #tpu.memory_space<vmem>>, vector<16xi32>,
    %swap3A_99 = vector.shape_cast %swap3A_98 : vector<16xi32> to vector<16xi32>
    %swap3A_100 = vector.shape_cast %add3A_96 : vector<16xi32> to vector<16xi32>
    tpu.vector_store %arg10[%swap3A_97], %swap3A_100 {strides = array<i32>} : memref<128xi32, #tpu.memory_space<vmem>>, vector<16xi32>,
    %add3A_101 = arith.constant 48 : i32
    %add3A_102 = arith.addi %mul3A_76, %add3A_101 : i32
    %broadcast_in_dim3A_103 = vector.broadcast %add3A_102 : i32 to vector<16xi32>
    %add3A_104 = arith.addi %broadcast_in_dim3A_103, %iota3A : vector<16xi32>
    %swap3A_105 = arith.constant 48 : index
    %swap3A_106 = tpu.vector_load %arg10[%swap3A_105] {strides = array<i32>} : memref<128xi32, #tpu.memory_space<vmem>>, vector<16xi32>,
    %swap3A_107 = vector.shape_cast %swap3A_106 : vector<16xi32> to vector<16xi32>
    %swap3A_108 = vector.shape_cast %add3A_104 : vector<16xi32> to vector<16xi32>
    tpu.vector_store %arg10[%swap3A_105], %swap3A_108 {strides = array<i32>} : memref<128xi32, #tpu.memory_space<vmem>>, vector<16xi32>,
    %add3A_109 = arith.constant 64 : i32
    %add3A_110 = arith.addi %mul3A_76, %add3A_109 : i32
    %broadcast_in_dim3A_111 = vector.broadcast %add3A_110 : i32 to vector<16xi32>
    %add3A_112 = arith.addi %broadcast_in_dim3A_111, %iota3A : vector<16xi32>
    %swap3A_113 = arith.constant 64 : index
    %swap3A_114 = tpu.vector_load %arg10[%swap3A_113] {strides = array<i32>} : memref<128xi32, #tpu.memory_space<vmem>>, vector<16xi32>,
    %swap3A_115 = vector.shape_cast %swap3A_114 : vector<16xi32> to vector<16xi32>
    %swap3A_116 = vector.shape_cast %add3A_112 : vector<16xi32> to vector<16xi32>
    tpu.vector_store %arg10[%swap3A_113], %swap3A_116 {strides = array<i32>} : memref<128xi32, #tpu.memory_space<vmem>>, vector<16xi32>,
    %add3A_117 = arith.constant 80 : i32
    %add3A_118 = arith.addi %mul3A_76, %add3A_117 : i32
    %broadcast_in_dim3A_119 = vector.broadcast %add3A_118 : i32 to vector<16xi32>
    %add3A_120 = arith.addi %broadcast_in_dim3A_119, %iota3A : vector<16xi32>
    %swap3A_121 = arith.constant 80 : index
    %swap3A_122 = tpu.vector_load %arg10[%swap3A_121] {strides = array<i32>} : memref<128xi32, #tpu.memory_space<vmem>>, vector<16xi32>,
    %swap3A_123 = vector.shape_cast %swap3A_122 : vector<16xi32> to vector<16xi32>
    %swap3A_124 = vector.shape_cast %add3A_120 : vector<16xi32> to vector<16xi32>
    tpu.vector_store %arg10[%swap3A_121], %swap3A_124 {strides = array<i32>} : memref<128xi32, #tpu.memory_space<vmem>>, vector<16xi32>,
    %add3A_125 = arith.constant 96 : i32
    %add3A_126 = arith.addi %mul3A_76, %add3A_125 : i32
    %broadcast_in_dim3A_127 = vector.broadcast %add3A_126 : i32 to vector<16xi32>
    %add3A_128 = arith.addi %broadcast_in_dim3A_127, %iota3A : vector<16xi32>
    %swap3A_129 = arith.constant 96 : index
    %swap3A_130 = tpu.vector_load %arg10[%swap3A_129] {strides = array<i32>} : memref<128xi32, #tpu.memory_space<vmem>>, vector<16xi32>,
    %swap3A_131 = vector.shape_cast %swap3A_130 : vector<16xi32> to vector<16xi32>
    %swap3A_132 = vector.shape_cast %add3A_128 : vector<16xi32> to vector<16xi32>
    tpu.vector_store %arg10[%swap3A_129], %swap3A_132 {strides = array<i32>} : memref<128xi32, #tpu.memory_space<vmem>>, vector<16xi32>,
    %add3A_133 = arith.constant 112 : i32
    %add3A_134 = arith.addi %mul3A_76, %add3A_133 : i32
    %broadcast_in_dim3A_135 = vector.broadcast %add3A_134 : i32 to vector<16xi32>
    %add3A_136 = arith.addi %broadcast_in_dim3A_135, %iota3A : vector<16xi32>
    %swap3A_137 = arith.constant 112 : index
    %swap3A_138 = tpu.vector_load %arg10[%swap3A_137] {strides = array<i32>} : memref<128xi32, #tpu.memory_space<vmem>>, vector<16xi32>,
    %swap3A_139 = vector.shape_cast %swap3A_138 : vector<16xi32> to vector<16xi32>
    %swap3A_140 = vector.shape_cast %add3A_136 : vector<16xi32> to vector<16xi32>
    tpu.vector_store %arg10[%swap3A_137], %swap3A_140 {strides = array<i32>} : memref<128xi32, #tpu.memory_space<vmem>>, vector<16xi32>,
    "tpu.region"() ({
      %run_scoped3A = tpu.sem_alloc : memref<!tpu.dma_semaphore, #tpu.memory_space<semaphore_mem>>
      %dma_start3A_151 = arith.constant 0 : i32
      %dma_start3A_152 = tpu.memref_slice %arg8[%dma_start3A_151] : memref<4096xi32, #tpu.memory_space<vmem_shared>> -> memref<4096xi32, #tpu.memory_space<vmem_shared>>
      tpu.enqueue_indirect_dma source(%arg10 : memref<128xi32, #tpu.memory_space<vmem>>) target(%dma_start3A_152 : memref<4096xi32, #tpu.memory_space<vmem_shared>>) offsets(%arg9 : memref<128xi32, #tpu.memory_space<vmem>>) semaphore(%run_scoped3A : memref<!tpu.dma_semaphore, #tpu.memory_space<semaphore_mem>>)
      %dma_wait3A_153 = arith.constant 0 : i32
      %dma_wait3A_154 = tpu.memref_slice %arg8[%dma_wait3A_153] : memref<4096xi32, #tpu.memory_space<vmem_shared>> -> memref<4096xi32, #tpu.memory_space<vmem_shared>>
      tpu.wait_indirect_dma semaphore(%run_scoped3A : memref<!tpu.dma_semaphore, #tpu.memory_space<semaphore_mem>>) src(%arg10 : memref<128xi32, #tpu.memory_space<vmem>>) dst(%dma_wait3A_154 : memref<4096xi32, #tpu.memory_space<vmem_shared>>)
      tpu.yield
    }) : () -> ()
    %barrier3A = arith.constant 0 : index
    tpu.barrier barrier_id(%barrier3A)
    "tpu.region"() ({
      %run_scoped3A = tpu.sem_alloc : memref<!tpu.dma_semaphore, #tpu.memory_space<semaphore_mem>>
      %dma_start3A_151 = tpu.memref_slice %arg8[%mul3A_2] : memref<4096xi32, #tpu.memory_space<vmem_shared>> -> memref<128xi32, #tpu.memory_space<vmem_shared>>
      %dma_start3A_152 = tpu.memref_slice %arg8[%mul3A_2] : memref<4096xi32, #tpu.memory_space<vmem_shared>> -> memref<128xi32, #tpu.memory_space<vmem_shared>>
      tpu.enqueue_dma source(%dma_start3A_152 : memref<128xi32, #tpu.memory_space<vmem_shared>>) target(%arg11 : memref<128xi32, #tpu.memory_space<vmem>>) target_semaphore(%run_scoped3A : memref<!tpu.dma_semaphore, #tpu.memory_space<semaphore_mem>>)
      %dma_wait3A_153 = tpu.memref_slice %arg8[%mul3A_2] : memref<4096xi32, #tpu.memory_space<vmem_shared>> -> memref<128xi32, #tpu.memory_space<vmem_shared>>
      %dma_wait3A_154 = tpu.memref_slice %arg8[%mul3A_2] : memref<4096xi32, #tpu.memory_space<vmem_shared>> -> memref<128xi32, #tpu.memory_space<vmem_shared>>
      tpu.wait_dma2 semaphore(%run_scoped3A : memref<!tpu.dma_semaphore, #tpu.memory_space<semaphore_mem>>) src(%dma_wait3A_154 : memref<128xi32, #tpu.memory_space<vmem_shared>>) dst(%arg11 : memref<128xi32, #tpu.memory_space<vmem>>)
      tpu.yield
    }) : () -> ()
    %dma_start3A = arith.constant 0 : i32
    %dma_start3A_141 = tpu.memref_slice %arg2[%dma_start3A] : memref<4096xf32, #tpu.memory_space<hbm>> -> memref<4096xf32, #tpu.memory_space<hbm>>
    tpu.enqueue_indirect_dma source(%dma_start3A_141 : memref<4096xf32, #tpu.memory_space<hbm>>) target(%arg12 : memref<128xf32, #tpu.memory_space<vmem>>) offsets(%arg11 : memref<128xi32, #tpu.memory_space<vmem>>) semaphore(%arg15 : memref<!tpu.dma_semaphore, #tpu.memory_space<semaphore_mem>>)
    %dma_wait3A = arith.constant 0 : i32
    %dma_wait3A_142 = tpu.memref_slice %arg2[%dma_wait3A] : memref<4096xf32, #tpu.memory_space<hbm>> -> memref<4096xf32, #tpu.memory_space<hbm>>
    tpu.wait_indirect_dma semaphore(%arg15 : memref<!tpu.dma_semaphore, #tpu.memory_space<semaphore_mem>>) src(%dma_wait3A_142 : memref<4096xf32, #tpu.memory_space<hbm>>) dst(%arg12 : memref<128xf32, #tpu.memory_space<vmem>>)
    %dma_start3A_143 = arith.constant 0 : i32
    %dma_start3A_144 = tpu.memref_slice %arg4[%dma_start3A_143] : memref<4096xi32, #tpu.memory_space<hbm>> -> memref<4096xi32, #tpu.memory_space<hbm>>
    tpu.enqueue_indirect_dma source(%dma_start3A_144 : memref<4096xi32, #tpu.memory_space<hbm>>) target(%arg13 : memref<128xi32, #tpu.memory_space<vmem>>) offsets(%arg11 : memref<128xi32, #tpu.memory_space<vmem>>) semaphore(%arg15 : memref<!tpu.dma_semaphore, #tpu.memory_space<semaphore_mem>>)
    %dma_wait3A_145 = arith.constant 0 : i32
    %dma_wait3A_146 = tpu.memref_slice %arg4[%dma_wait3A_145] : memref<4096xi32, #tpu.memory_space<hbm>> -> memref<4096xi32, #tpu.memory_space<hbm>>
    tpu.wait_indirect_dma semaphore(%arg15 : memref<!tpu.dma_semaphore, #tpu.memory_space<semaphore_mem>>) src(%dma_wait3A_146 : memref<4096xi32, #tpu.memory_space<hbm>>) dst(%arg13 : memref<128xi32, #tpu.memory_space<vmem>>)
    %dma_start3A_147 = arith.constant 0 : i32
    %dma_start3A_148 = tpu.memref_slice %arg5[%dma_start3A_147] : memref<1000000xf32, #tpu.memory_space<hbm>> -> memref<1000000xf32, #tpu.memory_space<hbm>>
    tpu.enqueue_indirect_dma source(%dma_start3A_148 : memref<1000000xf32, #tpu.memory_space<hbm>>) target(%arg14 : memref<128xf32, #tpu.memory_space<vmem>>) offsets(%arg13 : memref<128xi32, #tpu.memory_space<vmem>>) semaphore(%arg15 : memref<!tpu.dma_semaphore, #tpu.memory_space<semaphore_mem>>)
    %dma_wait3A_149 = arith.constant 0 : i32
    %dma_wait3A_150 = tpu.memref_slice %arg5[%dma_wait3A_149] : memref<1000000xf32, #tpu.memory_space<hbm>> -> memref<1000000xf32, #tpu.memory_space<hbm>>
    tpu.wait_indirect_dma semaphore(%arg15 : memref<!tpu.dma_semaphore, #tpu.memory_space<semaphore_mem>>) src(%dma_wait3A_150 : memref<1000000xf32, #tpu.memory_space<hbm>>) dst(%arg14 : memref<128xf32, #tpu.memory_space<vmem>>)
    "tpu.region"() ({
      %run_scoped3A = tpu.sem_alloc : memref<!tpu.dma_semaphore, #tpu.memory_space<semaphore_mem>>
      %dma_start3A_151 = tpu.memref_slice %arg6[%mul3A_2] : memref<4096xf32, #tpu.memory_space<hbm>> -> memref<128xf32, #tpu.memory_space<hbm>>
      %dma_start3A_152 = tpu.memref_slice %arg6[%mul3A_2] : memref<4096xf32, #tpu.memory_space<hbm>> -> memref<128xf32, #tpu.memory_space<hbm>>
      tpu.enqueue_dma source(%arg12 : memref<128xf32, #tpu.memory_space<vmem>>) target(%dma_start3A_152 : memref<128xf32, #tpu.memory_space<hbm>>) target_semaphore(%run_scoped3A : memref<!tpu.dma_semaphore, #tpu.memory_space<semaphore_mem>>)
      %dma_wait3A_153 = tpu.memref_slice %arg6[%mul3A_2] : memref<4096xf32, #tpu.memory_space<hbm>> -> memref<128xf32, #tpu.memory_space<hbm>>
      %dma_wait3A_154 = tpu.memref_slice %arg6[%mul3A_2] : memref<4096xf32, #tpu.memory_space<hbm>> -> memref<128xf32, #tpu.memory_space<hbm>>
      tpu.wait_dma2 semaphore(%run_scoped3A : memref<!tpu.dma_semaphore, #tpu.memory_space<semaphore_mem>>) src(%arg12 : memref<128xf32, #tpu.memory_space<vmem>>) dst(%dma_wait3A_154 : memref<128xf32, #tpu.memory_space<hbm>>)
      tpu.yield
    }) : () -> ()
    "tpu.region"() ({
      %run_scoped3A = tpu.sem_alloc : memref<!tpu.dma_semaphore, #tpu.memory_space<semaphore_mem>>
      %dma_start3A_151 = tpu.memref_slice %arg7[%mul3A_2] : memref<4096xf32, #tpu.memory_space<hbm>> -> memref<128xf32, #tpu.memory_space<hbm>>
      %dma_start3A_152 = tpu.memref_slice %arg7[%mul3A_2] : memref<4096xf32, #tpu.memory_space<hbm>> -> memref<128xf32, #tpu.memory_space<hbm>>
      tpu.enqueue_dma source(%arg14 : memref<128xf32, #tpu.memory_space<vmem>>) target(%dma_start3A_152 : memref<128xf32, #tpu.memory_space<hbm>>) target_semaphore(%run_scoped3A : memref<!tpu.dma_semaphore, #tpu.memory_space<semaphore_mem>>)
      %dma_wait3A_153 = tpu.memref_slice %arg7[%mul3A_2] : memref<4096xf32, #tpu.memory_space<hbm>> -> memref<128xf32, #tpu.memory_space<hbm>>
      %dma_wait3A_154 = tpu.memref_slice %arg7[%mul3A_2] : memref<4096xf32, #tpu.memory_space<hbm>> -> memref<128xf32, #tpu.memory_space<hbm>>
      tpu.wait_dma2 semaphore(%run_scoped3A : memref<!tpu.dma_semaphore, #tpu.memory_space<semaphore_mem>>) src(%arg14 : memref<128xf32, #tpu.memory_space<vmem>>) dst(%dma_wait3A_154 : memref<128xf32, #tpu.memory_space<hbm>>)
      tpu.yield
    }) : () -> ()
    return
  }
}

module attributes {stable_mosaic.version = 14 : i64} {
  func.func @_dest_body(%arg0: memref<1x4096xi32, #tpu.memory_space<vmem>>, %arg1: memref<1x4096xi32, #tpu.memory_space<vmem>>, %arg2: memref<1x1xi32, #tpu.memory_space<vmem>>) attributes {dimension_semantics = [], scalar_prefetch = 0 : i64, scratch_operands = 0 : i64, tpu.core_type = #tpu.core_type<tc>} {
    %get3A = arith.constant 0 : index
    %get3A_0 = arith.constant 0 : index
    %get3A_1 = vector.load %arg0[%get3A, %get3A_0] : memref<1x4096xi32, #tpu.memory_space<vmem>>, vector<1x4096xi32>
    %eq3A = arith.constant 1 : i32
    %eq3A_2 = vector.broadcast %eq3A : i32 to vector<1x4096xi32>
    %eq3A_3 = arith.cmpi eq, %get3A_1, %eq3A_2 : vector<1x4096xi32>
    %convert_element_type3A = arith.extui %eq3A_3 : vector<1x4096xi1> to vector<1x4096xi32>
    %iota3A = tpu.iota {dimensions = array<i32: 1>} : vector<1x4096xi32>
    %roll3A = arith.constant 1 : i32
    %roll3A_4 = tpu.dynamic_rotate %convert_element_type3A by %roll3A dim 1 : vector<1x4096xi32>, i32 -> vector<1x4096xi32>
    %ge3A = arith.constant 1 : i32
    %ge3A_5 = vector.broadcast %ge3A : i32 to vector<1x4096xi32>
    %ge3A_6 = arith.cmpi sge, %iota3A, %ge3A_5 : vector<1x4096xi32>
    %jit3A = arith.constant 0 : i32
    %broadcast_in_dim3A = vector.broadcast %jit3A : i32 to vector<1x4096xi32>
    %select_n3A = arith.select %ge3A_6, %roll3A_4, %broadcast_in_dim3A : vector<1x4096xi1>, vector<1x4096xi32>
    %add3A = arith.addi %convert_element_type3A, %select_n3A : vector<1x4096xi32>
    %roll3A_7 = arith.constant 2 : i32
    %roll3A_8 = tpu.dynamic_rotate %add3A by %roll3A_7 dim 1 : vector<1x4096xi32>, i32 -> vector<1x4096xi32>
    %ge3A_9 = arith.constant 2 : i32
    %ge3A_10 = vector.broadcast %ge3A_9 : i32 to vector<1x4096xi32>
    %ge3A_11 = arith.cmpi sge, %iota3A, %ge3A_10 : vector<1x4096xi32>
    %jit3A_12 = arith.constant 0 : i32
    %broadcast_in_dim3A_13 = vector.broadcast %jit3A_12 : i32 to vector<1x4096xi32>
    %select_n3A_14 = arith.select %ge3A_11, %roll3A_8, %broadcast_in_dim3A_13 : vector<1x4096xi1>, vector<1x4096xi32>
    %add3A_15 = arith.addi %add3A, %select_n3A_14 : vector<1x4096xi32>
    %roll3A_16 = arith.constant 4 : i32
    %roll3A_17 = tpu.dynamic_rotate %add3A_15 by %roll3A_16 dim 1 : vector<1x4096xi32>, i32 -> vector<1x4096xi32>
    %ge3A_18 = arith.constant 4 : i32
    %ge3A_19 = vector.broadcast %ge3A_18 : i32 to vector<1x4096xi32>
    %ge3A_20 = arith.cmpi sge, %iota3A, %ge3A_19 : vector<1x4096xi32>
    %jit3A_21 = arith.constant 0 : i32
    %broadcast_in_dim3A_22 = vector.broadcast %jit3A_21 : i32 to vector<1x4096xi32>
    %select_n3A_23 = arith.select %ge3A_20, %roll3A_17, %broadcast_in_dim3A_22 : vector<1x4096xi1>, vector<1x4096xi32>
    %add3A_24 = arith.addi %add3A_15, %select_n3A_23 : vector<1x4096xi32>
    %roll3A_25 = arith.constant 8 : i32
    %roll3A_26 = tpu.dynamic_rotate %add3A_24 by %roll3A_25 dim 1 : vector<1x4096xi32>, i32 -> vector<1x4096xi32>
    %ge3A_27 = arith.constant 8 : i32
    %ge3A_28 = vector.broadcast %ge3A_27 : i32 to vector<1x4096xi32>
    %ge3A_29 = arith.cmpi sge, %iota3A, %ge3A_28 : vector<1x4096xi32>
    %jit3A_30 = arith.constant 0 : i32
    %broadcast_in_dim3A_31 = vector.broadcast %jit3A_30 : i32 to vector<1x4096xi32>
    %select_n3A_32 = arith.select %ge3A_29, %roll3A_26, %broadcast_in_dim3A_31 : vector<1x4096xi1>, vector<1x4096xi32>
    %add3A_33 = arith.addi %add3A_24, %select_n3A_32 : vector<1x4096xi32>
    %roll3A_34 = arith.constant 16 : i32
    %roll3A_35 = tpu.dynamic_rotate %add3A_33 by %roll3A_34 dim 1 : vector<1x4096xi32>, i32 -> vector<1x4096xi32>
    %ge3A_36 = arith.constant 16 : i32
    %ge3A_37 = vector.broadcast %ge3A_36 : i32 to vector<1x4096xi32>
    %ge3A_38 = arith.cmpi sge, %iota3A, %ge3A_37 : vector<1x4096xi32>
    %jit3A_39 = arith.constant 0 : i32
    %broadcast_in_dim3A_40 = vector.broadcast %jit3A_39 : i32 to vector<1x4096xi32>
    %select_n3A_41 = arith.select %ge3A_38, %roll3A_35, %broadcast_in_dim3A_40 : vector<1x4096xi1>, vector<1x4096xi32>
    %add3A_42 = arith.addi %add3A_33, %select_n3A_41 : vector<1x4096xi32>
    %roll3A_43 = arith.constant 32 : i32
    %roll3A_44 = tpu.dynamic_rotate %add3A_42 by %roll3A_43 dim 1 : vector<1x4096xi32>, i32 -> vector<1x4096xi32>
    %ge3A_45 = arith.constant 32 : i32
    %ge3A_46 = vector.broadcast %ge3A_45 : i32 to vector<1x4096xi32>
    %ge3A_47 = arith.cmpi sge, %iota3A, %ge3A_46 : vector<1x4096xi32>
    %jit3A_48 = arith.constant 0 : i32
    %broadcast_in_dim3A_49 = vector.broadcast %jit3A_48 : i32 to vector<1x4096xi32>
    %select_n3A_50 = arith.select %ge3A_47, %roll3A_44, %broadcast_in_dim3A_49 : vector<1x4096xi1>, vector<1x4096xi32>
    %add3A_51 = arith.addi %add3A_42, %select_n3A_50 : vector<1x4096xi32>
    %roll3A_52 = arith.constant 64 : i32
    %roll3A_53 = tpu.dynamic_rotate %add3A_51 by %roll3A_52 dim 1 : vector<1x4096xi32>, i32 -> vector<1x4096xi32>
    %ge3A_54 = arith.constant 64 : i32
    %ge3A_55 = vector.broadcast %ge3A_54 : i32 to vector<1x4096xi32>
    %ge3A_56 = arith.cmpi sge, %iota3A, %ge3A_55 : vector<1x4096xi32>
    %jit3A_57 = arith.constant 0 : i32
    %broadcast_in_dim3A_58 = vector.broadcast %jit3A_57 : i32 to vector<1x4096xi32>
    %select_n3A_59 = arith.select %ge3A_56, %roll3A_53, %broadcast_in_dim3A_58 : vector<1x4096xi1>, vector<1x4096xi32>
    %add3A_60 = arith.addi %add3A_51, %select_n3A_59 : vector<1x4096xi32>
    %roll3A_61 = arith.constant 128 : i32
    %roll3A_62 = tpu.dynamic_rotate %add3A_60 by %roll3A_61 dim 1 : vector<1x4096xi32>, i32 -> vector<1x4096xi32>
    %ge3A_63 = arith.constant 128 : i32
    %ge3A_64 = vector.broadcast %ge3A_63 : i32 to vector<1x4096xi32>
    %ge3A_65 = arith.cmpi sge, %iota3A, %ge3A_64 : vector<1x4096xi32>
    %jit3A_66 = arith.constant 0 : i32
    %broadcast_in_dim3A_67 = vector.broadcast %jit3A_66 : i32 to vector<1x4096xi32>
    %select_n3A_68 = arith.select %ge3A_65, %roll3A_62, %broadcast_in_dim3A_67 : vector<1x4096xi1>, vector<1x4096xi32>
    %add3A_69 = arith.addi %add3A_60, %select_n3A_68 : vector<1x4096xi32>
    %roll3A_70 = arith.constant 256 : i32
    %roll3A_71 = tpu.dynamic_rotate %add3A_69 by %roll3A_70 dim 1 : vector<1x4096xi32>, i32 -> vector<1x4096xi32>
    %ge3A_72 = arith.constant 256 : i32
    %ge3A_73 = vector.broadcast %ge3A_72 : i32 to vector<1x4096xi32>
    %ge3A_74 = arith.cmpi sge, %iota3A, %ge3A_73 : vector<1x4096xi32>
    %jit3A_75 = arith.constant 0 : i32
    %broadcast_in_dim3A_76 = vector.broadcast %jit3A_75 : i32 to vector<1x4096xi32>
    %select_n3A_77 = arith.select %ge3A_74, %roll3A_71, %broadcast_in_dim3A_76 : vector<1x4096xi1>, vector<1x4096xi32>
    %add3A_78 = arith.addi %add3A_69, %select_n3A_77 : vector<1x4096xi32>
    %roll3A_79 = arith.constant 512 : i32
    %roll3A_80 = tpu.dynamic_rotate %add3A_78 by %roll3A_79 dim 1 : vector<1x4096xi32>, i32 -> vector<1x4096xi32>
    %ge3A_81 = arith.constant 512 : i32
    %ge3A_82 = vector.broadcast %ge3A_81 : i32 to vector<1x4096xi32>
    %ge3A_83 = arith.cmpi sge, %iota3A, %ge3A_82 : vector<1x4096xi32>
    %jit3A_84 = arith.constant 0 : i32
    %broadcast_in_dim3A_85 = vector.broadcast %jit3A_84 : i32 to vector<1x4096xi32>
    %select_n3A_86 = arith.select %ge3A_83, %roll3A_80, %broadcast_in_dim3A_85 : vector<1x4096xi1>, vector<1x4096xi32>
    %add3A_87 = arith.addi %add3A_78, %select_n3A_86 : vector<1x4096xi32>
    %roll3A_88 = arith.constant 1024 : i32
    %roll3A_89 = tpu.dynamic_rotate %add3A_87 by %roll3A_88 dim 1 : vector<1x4096xi32>, i32 -> vector<1x4096xi32>
    %ge3A_90 = arith.constant 1024 : i32
    %ge3A_91 = vector.broadcast %ge3A_90 : i32 to vector<1x4096xi32>
    %ge3A_92 = arith.cmpi sge, %iota3A, %ge3A_91 : vector<1x4096xi32>
    %jit3A_93 = arith.constant 0 : i32
    %broadcast_in_dim3A_94 = vector.broadcast %jit3A_93 : i32 to vector<1x4096xi32>
    %select_n3A_95 = arith.select %ge3A_92, %roll3A_89, %broadcast_in_dim3A_94 : vector<1x4096xi1>, vector<1x4096xi32>
    %add3A_96 = arith.addi %add3A_87, %select_n3A_95 : vector<1x4096xi32>
    %roll3A_97 = arith.constant 2048 : i32
    %roll3A_98 = tpu.dynamic_rotate %add3A_96 by %roll3A_97 dim 1 : vector<1x4096xi32>, i32 -> vector<1x4096xi32>
    %ge3A_99 = arith.constant 2048 : i32
    %ge3A_100 = vector.broadcast %ge3A_99 : i32 to vector<1x4096xi32>
    %ge3A_101 = arith.cmpi sge, %iota3A, %ge3A_100 : vector<1x4096xi32>
    %jit3A_102 = arith.constant 0 : i32
    %broadcast_in_dim3A_103 = vector.broadcast %jit3A_102 : i32 to vector<1x4096xi32>
    %select_n3A_104 = arith.select %ge3A_101, %roll3A_98, %broadcast_in_dim3A_103 : vector<1x4096xi1>, vector<1x4096xi32>
    %add3A_105 = arith.addi %add3A_96, %select_n3A_104 : vector<1x4096xi32>
    %sub3A = arith.subi %add3A_105, %convert_element_type3A : vector<1x4096xi32>
    %reduce_sum3A = vector.shape_cast %convert_element_type3A : vector<1x4096xi32> to vector<1x1x4096xi32>
    %reduce_sum3A_106 = arith.constant dense<0> : vector<1xi32>
    %reduce_sum3A_107 = vector.multi_reduction <add>, %reduce_sum3A, %reduce_sum3A_106 [1, 2] : vector<1x1x4096xi32> to vector<1xi32>
    %reduce_sum3A_108 = vector.shape_cast %reduce_sum3A_107 : vector<1xi32> to vector<1x1x1xi32>
    %reduce_sum3A_109 = vector.extract %reduce_sum3A_108[0, 0, 0] : i32 from vector<1x1x1xi32>
    %add3A_110 = vector.broadcast %reduce_sum3A_109 : i32 to vector<1x4096xi32>
    %add3A_111 = arith.addi %add3A_110, %iota3A : vector<1x4096xi32>
    %sub3A_112 = arith.subi %add3A_111, %sub3A : vector<1x4096xi32>
    %eq3A_113 = arith.constant 1 : i32
    %eq3A_114 = vector.broadcast %eq3A_113 : i32 to vector<1x4096xi32>
    %eq3A_115 = arith.cmpi eq, %convert_element_type3A, %eq3A_114 : vector<1x4096xi32>
    %select_n3A_116 = arith.select %eq3A_115, %sub3A, %sub3A_112 : vector<1x4096xi1>, vector<1x4096xi32>
    %swap3A = arith.constant 0 : index
    %swap3A_117 = arith.constant 0 : index
    %swap3A_118 = vector.load %arg1[%swap3A, %swap3A_117] : memref<1x4096xi32, #tpu.memory_space<vmem>>, vector<1x4096xi32>
    tpu.vector_store %arg1[%swap3A, %swap3A_117], %select_n3A_116 {strides = array<i32>} : memref<1x4096xi32, #tpu.memory_space<vmem>>, vector<1x4096xi32>,
    %broadcast_in_dim3A_119 = vector.broadcast %reduce_sum3A_109 : i32 to vector<1x1xi32>
    %swap3A_120 = arith.constant 0 : index
    %swap3A_121 = arith.constant 0 : index
    %swap3A_122 = vector.load %arg2[%swap3A_120, %swap3A_121] : memref<1x1xi32, #tpu.memory_space<vmem>>, vector<1x1xi32>
    tpu.vector_store %arg2[%swap3A_120, %swap3A_121], %broadcast_in_dim3A_119 {strides = array<i32>} : memref<1x1xi32, #tpu.memory_space<vmem>>, vector<1x1xi32>,
    return
  }
}

module attributes {stable_mosaic.version = 14 : i64} {
  func.func @_tc_body(%arg0: i32, %arg1: memref<1xi32, #tpu.memory_space<smem>>, %arg2: memref<512x1xf32, #tpu.memory_space<vmem>>, %arg3: memref<1x4096xf32, #tpu.memory_space<vmem>>, %arg4: memref<1x4096xi32, #tpu.memory_space<vmem>>, %arg5: memref<512x1xf32, #tpu.memory_space<vmem>>, %arg6: memref<1x1xf32, #tpu.memory_space<vmem>>) attributes {dimension_semantics = [#tpu.dimension_semantics<arbitrary>], iteration_bounds = array<i64: 8>, scalar_prefetch = 1 : i64, scratch_operands = 0 : i64, tpu.core_type = #tpu.core_type<tc>, window_params = [{transform_indices = @transform_0, window_bounds = array<i64: 512, 1>}, {pipeline_mode = #tpu.pipeline_mode<synchronous>, transform_indices = @transform_1, window_bounds = array<i64: 1, 4096>}, {pipeline_mode = #tpu.pipeline_mode<synchronous>, transform_indices = @transform_2, window_bounds = array<i64: 1, 4096>}, {transform_indices = @transform_3, window_bounds = array<i64: 512, 1>}, {pipeline_mode = #tpu.pipeline_mode<synchronous>, transform_indices = @transform_4, window_bounds = array<i64: 1, 1>}]} {
    %get3A = arith.constant 0 : index
    %get3A_0 = memref.load %arg1[%get3A] : memref<1xi32, #tpu.memory_space<smem>>
    %eq3A = arith.constant 0 : i32
    %eq3A_1 = arith.cmpi eq, %arg0, %eq3A : i32
    %convert_element_type3A = arith.extui %eq3A_1 : i1 to i32
    %cond3A = arith.constant 0 : i32
    %cond3A_2 = arith.cmpi ne, %convert_element_type3A, %cond3A : i32
    scf.if %cond3A_2 {
      %broadcast_in_dim3A = arith.constant 0.000000e+00 : f32
      %broadcast_in_dim3A_12 = vector.broadcast %broadcast_in_dim3A : f32 to vector<1x1xf32>
      %swap3A = arith.constant 0 : index
      %swap3A_13 = arith.constant 0 : index
      %swap3A_14 = vector.load %arg6[%swap3A, %swap3A_13] : memref<1x1xf32, #tpu.memory_space<vmem>>, vector<1x1xf32>
      tpu.vector_store %arg6[%swap3A, %swap3A_13], %broadcast_in_dim3A_12 {strides = array<i32>} : memref<1x1xf32, #tpu.memory_space<vmem>>, vector<1x1xf32>,
    } else {
    }
    %mul3A = arith.constant 512 : i32
    %mul3A_3 = arith.muli %arg0, %mul3A : i32
    %lt3A = arith.cmpi slt, %mul3A_3, %get3A_0 : i32
    %convert_element_type3A_4 = arith.extui %lt3A : i1 to i32
    %cond3A_5 = arith.constant 0 : i32
    %cond3A_6 = arith.cmpi ne, %convert_element_type3A_4, %cond3A_5 : i32
    scf.if %cond3A_6 {
      %get3A_12 = arith.constant 0 : index
      %get3A_13 = arith.constant 0 : index
      %get3A_14 = vector.load %arg2[%get3A_12, %get3A_13] : memref<512x1xf32, #tpu.memory_space<vmem>>, vector<512x1xf32>
      %get3A_15 = arith.constant 0 : index
      %get3A_16 = arith.constant 0 : index
      %get3A_17 = vector.load %arg3[%get3A_15, %get3A_16] : memref<1x4096xf32, #tpu.memory_space<vmem>>, vector<1x4096xf32>
      %add3A = arith.constant 1.000000e+00 : f32
      %add3A_18 = vector.broadcast %add3A : f32 to vector<1x4096xf32>
      %add3A_19 = arith.addf %add3A_18, %get3A_17 : vector<1x4096xf32>
      %mul3A_20 = arith.constant 1.2011224 : f32
      %mul3A_21 = vector.broadcast %mul3A_20 : f32 to vector<1x4096xf32>
      %mul3A_22 = arith.mulf %add3A_19, %mul3A_21 : vector<1x4096xf32>
      %mul3A_23 = arith.constant 1.2011224 : f32
      %mul3A_24 = vector.broadcast %mul3A_23 : f32 to vector<512x1xf32>
      %mul3A_25 = arith.mulf %get3A_14, %mul3A_24 : vector<512x1xf32>
      %sub3A = vector.broadcast %mul3A_22 : vector<1x4096xf32> to vector<512x4096xf32>
      %sub3A_26 = vector.broadcast %mul3A_25 : vector<512x1xf32> to vector<512x4096xf32>
      %sub3A_27 = arith.subf %sub3A, %sub3A_26 : vector<512x4096xf32>
      %max3A = arith.constant 0.000000e+00 : f32
      %max3A_28 = vector.broadcast %max3A : f32 to vector<512x4096xf32>
      %max3A_29 = arith.maximumf %sub3A_27, %max3A_28 : vector<512x4096xf32>
      %mul3A_30 = arith.mulf %max3A_29, %max3A_29 : vector<512x4096xf32>
      %get3A_31 = arith.constant 0 : index
      %get3A_32 = arith.constant 0 : index
      %get3A_33 = vector.load %arg4[%get3A_31, %get3A_32] : memref<1x4096xi32, #tpu.memory_space<vmem>>, vector<1x4096xi32>
      %eq3A_34 = arith.constant 0 : i32
      %eq3A_35 = vector.broadcast %eq3A_34 : i32 to vector<1x4096xi32>
      %eq3A_36 = arith.cmpi eq, %get3A_33, %eq3A_35 : vector<1x4096xi32>
      %jit3A = arith.constant 0xFF800000 : f32
      %broadcast_in_dim3A = vector.shape_cast %eq3A_36 : vector<1x4096xi1> to vector<1x4096xi1>
      %broadcast_in_dim3A_37 = vector.broadcast %broadcast_in_dim3A : vector<1x4096xi1> to vector<512x4096xi1>
      %broadcast_in_dim3A_38 = vector.broadcast %jit3A : f32 to vector<512x4096xf32>
      %select_n3A = arith.select %broadcast_in_dim3A_37, %mul3A_30, %broadcast_in_dim3A_38 : vector<512x4096xi1>, vector<512x4096xf32>
      %exp23A = math.exp2 %select_n3A : vector<512x4096xf32>
      %reduce_sum3A = arith.constant dense<0.000000e+00> : vector<512xf32>
      %reduce_sum3A_39 = vector.multi_reduction <add>, %exp23A, %reduce_sum3A [1] : vector<512x4096xf32> to vector<512xf32>
      %broadcast_in_dim3A_40 = vector.shape_cast %reduce_sum3A_39 : vector<512xf32> to vector<512x1xf32>
      %sub3A_41 = arith.constant 4096 : i32
      %sub3A_42 = arith.subi %sub3A_41, %get3A_0 : i32
      %convert_element_type3A_43 = arith.sitofp %sub3A_42 : i32 to f32
      %div3A = vector.broadcast %convert_element_type3A_43 : f32 to vector<512x1xf32>
      %div3A_44 = arith.divf %broadcast_in_dim3A_40, %div3A : vector<512x1xf32>
      %get3A_45 = arith.constant 0 : index
      %get3A_46 = arith.constant 0 : index
      %get3A_47 = vector.load %arg5[%get3A_45, %get3A_46] : memref<512x1xf32, #tpu.memory_space<vmem>>, vector<512x1xf32>
      %eq3A_48 = arith.constant 0.000000e+00 : f32
      %eq3A_49 = vector.broadcast %eq3A_48 : f32 to vector<512x1xf32>
      %eq3A_50 = arith.cmpf oeq, %get3A_47, %eq3A_49 : vector<512x1xf32>
      %log3A = math.log %div3A_44 : vector<512x1xf32>
      %select_n3A_51 = arith.select %eq3A_50, %log3A, %get3A_47 : vector<512x1xi1>, vector<512x1xf32>
      %neg3A = arith.constant 0.000000e+00 : f32
      %neg3A_52 = vector.broadcast %neg3A : f32 to vector<512x1xf32>
      %neg3A_53 = arith.subf %neg3A_52, %select_n3A_51 : vector<512x1xf32>
      %exp3A = math.exp %neg3A_53 : vector<512x1xf32>
      %mul3A_54 = arith.mulf %div3A_44, %exp3A : vector<512x1xf32>
      %sub3A_55 = arith.constant 1.000000e+00 : f32
      %sub3A_56 = vector.broadcast %sub3A_55 : f32 to vector<512x1xf32>
      %sub3A_57 = arith.subf %mul3A_54, %sub3A_56 : vector<512x1xf32>
      %mul3A_58 = arith.constant 1.000000e-03 : f32
      %mul3A_59 = vector.broadcast %mul3A_58 : f32 to vector<512x1xf32>
      %mul3A_60 = arith.mulf %mul3A_59, %sub3A_57 : vector<512x1xf32>
      %add3A_61 = arith.addf %select_n3A_51, %mul3A_60 : vector<512x1xf32>
      %neg3A_62 = arith.constant 0.000000e+00 : f32
      %neg3A_63 = vector.broadcast %neg3A_62 : f32 to vector<512x1xf32>
      %neg3A_64 = arith.subf %neg3A_63, %add3A_61 : vector<512x1xf32>
      %exp3A_65 = math.exp %neg3A_64 : vector<512x1xf32>
      %mul3A_66 = arith.constant 0.693147182 : f32
      %mul3A_67 = vector.broadcast %mul3A_66 : f32 to vector<512x1xf32>
      %mul3A_68 = arith.mulf %exp3A_65, %mul3A_67 : vector<512x1xf32>
      %mul3A_69 = vector.broadcast %mul3A_68 : vector<512x1xf32> to vector<512x4096xf32>
      %mul3A_70 = arith.mulf %exp23A, %mul3A_69 : vector<512x4096xf32>
      %mul3A_71 = arith.mulf %mul3A_70, %mul3A_30 : vector<512x4096xf32>
      %reduce_sum3A_72 = arith.constant dense<0.000000e+00> : vector<512xf32>
      %reduce_sum3A_73 = vector.multi_reduction <add>, %mul3A_71, %reduce_sum3A_72 [1] : vector<512x4096xf32> to vector<512xf32>
      %broadcast_in_dim3A_74 = vector.shape_cast %reduce_sum3A_73 : vector<512xf32> to vector<512x1xf32>
      %mul3A_75 = arith.constant 512 : i32
      %mul3A_76 = arith.muli %arg0, %mul3A_75 : i32
      %iota3A = tpu.iota {dimensions = array<i32: 0>} : vector<512x1xi32>
      %add3A_77 = vector.broadcast %mul3A_76 : i32 to vector<512x1xi32>
      %add3A_78 = arith.addi %add3A_77, %iota3A : vector<512x1xi32>
      %lt3A_79 = vector.broadcast %get3A_0 : i32 to vector<512x1xi32>
      %lt3A_80 = arith.cmpi slt, %add3A_78, %lt3A_79 : vector<512x1xi32>
      %jit3A_81 = arith.constant 0.000000e+00 : f32
      %broadcast_in_dim3A_82 = vector.broadcast %jit3A_81 : f32 to vector<512x1xf32>
      %select_n3A_83 = arith.select %lt3A_80, %broadcast_in_dim3A_74, %broadcast_in_dim3A_82 : vector<512x1xi1>, vector<512x1xf32>
      %reduce_sum3A_84 = vector.shape_cast %select_n3A_83 : vector<512x1xf32> to vector<1x512x1xf32>
      %reduce_sum3A_85 = arith.constant dense<0.000000e+00> : vector<1xf32>
      %reduce_sum3A_86 = vector.multi_reduction <add>, %reduce_sum3A_84, %reduce_sum3A_85 [1, 2] : vector<1x512x1xf32> to vector<1xf32>
      %reduce_sum3A_87 = vector.shape_cast %reduce_sum3A_86 : vector<1xf32> to vector<1x1x1xf32>
      %reduce_sum3A_88 = vector.extract %reduce_sum3A_87[0, 0, 0] : f32 from vector<1x1x1xf32>
      %get3A_89 = arith.constant 0 : index
      %get3A_90 = arith.constant 0 : index
      %get3A_91 = vector.load %arg6[%get3A_89, %get3A_90] : memref<1x1xf32, #tpu.memory_space<vmem>>, vector<1x1xf32>
      %add3A_92 = vector.broadcast %reduce_sum3A_88 : f32 to vector<1x1xf32>
      %add3A_93 = arith.addf %get3A_91, %add3A_92 : vector<1x1xf32>
      %swap3A = arith.constant 0 : index
      %swap3A_94 = arith.constant 0 : index
      %swap3A_95 = vector.load %arg6[%swap3A, %swap3A_94] : memref<1x1xf32, #tpu.memory_space<vmem>>, vector<1x1xf32>
      tpu.vector_store %arg6[%swap3A, %swap3A_94], %add3A_93 {strides = array<i32>} : memref<1x1xf32, #tpu.memory_space<vmem>>, vector<1x1xf32>,
    } else {
    }
    %eq3A_7 = arith.constant 7 : i32
    %eq3A_8 = arith.cmpi eq, %arg0, %eq3A_7 : i32
    %convert_element_type3A_9 = arith.extui %eq3A_8 : i1 to i32
    %cond3A_10 = arith.constant 0 : i32
    %cond3A_11 = arith.cmpi ne, %convert_element_type3A_9, %cond3A_10 : i32
    scf.if %cond3A_11 {
      %convert_element_type3A_12 = arith.sitofp %get3A_0 : i32 to f32
      %sub3A = arith.constant 4096 : i32
      %sub3A_13 = arith.subi %sub3A, %get3A_0 : i32
      %convert_element_type3A_14 = arith.sitofp %sub3A_13 : i32 to f32
      %get3A_15 = arith.constant 0 : index
      %get3A_16 = arith.constant 0 : index
      %get3A_17 = vector.load %arg6[%get3A_15, %get3A_16] : memref<1x1xf32, #tpu.memory_space<vmem>>, vector<1x1xf32>
      %mul3A_18 = arith.mulf %convert_element_type3A_12, %convert_element_type3A_14 : f32
      %div3A = vector.broadcast %mul3A_18 : f32 to vector<1x1xf32>
      %div3A_19 = arith.divf %get3A_17, %div3A : vector<1x1xf32>
      %swap3A = arith.constant 0 : index
      %swap3A_20 = arith.constant 0 : index
      %swap3A_21 = vector.load %arg6[%swap3A, %swap3A_20] : memref<1x1xf32, #tpu.memory_space<vmem>>, vector<1x1xf32>
      tpu.vector_store %arg6[%swap3A, %swap3A_20], %div3A_19 {strides = array<i32>} : memref<1x1xf32, #tpu.memory_space<vmem>>, vector<1x1xf32>,
    } else {
    }
    return
  }
  func.func @transform_0(%arg0: i32, %arg1: memref<1xi32, #tpu.memory_space<smem>>) -> (i32, i32) {
    %c0_i32 = arith.constant 0 : i32
    %c0_i32_0 = arith.constant 0 : i32
    return %arg0, %c0_i32 : i32, i32
  }
  func.func @transform_1(%arg0: i32, %arg1: memref<1xi32, #tpu.memory_space<smem>>) -> (i32, i32) {
    %c0_i32 = arith.constant 0 : i32
    %c0_i32_0 = arith.constant 0 : i32
    %c0_i32_1 = arith.constant 0 : i32
    return %c0_i32, %c0_i32_0 : i32, i32
  }
  func.func @transform_2(%arg0: i32, %arg1: memref<1xi32, #tpu.memory_space<smem>>) -> (i32, i32) {
    %c0_i32 = arith.constant 0 : i32
    %c0_i32_0 = arith.constant 0 : i32
    %c0_i32_1 = arith.constant 0 : i32
    return %c0_i32, %c0_i32_0 : i32, i32
  }
  func.func @transform_3(%arg0: i32, %arg1: memref<1xi32, #tpu.memory_space<smem>>) -> (i32, i32) {
    %c0_i32 = arith.constant 0 : i32
    %c0_i32_0 = arith.constant 0 : i32
    return %arg0, %c0_i32 : i32, i32
  }
  func.func @transform_4(%arg0: i32, %arg1: memref<1xi32, #tpu.memory_space<smem>>) -> (i32, i32) {
    %c0_i32 = arith.constant 0 : i32
    %c0_i32_0 = arith.constant 0 : i32
    %c0_i32_1 = arith.constant 0 : i32
    return %c0_i32, %c0_i32_0 : i32, i32
  }
}

</mosaic_0001>

<sc_bundles>
// kernel: kernel.5.cloned.1.call-start
scs
__scs_entry_jumppad:
0x0: {  	(pc) =	sbr.rel $0x88, $3  }
0x1: {  	(tag) =	ssettag $0x0;
	lr =	simm.s32 $0x1  }
0x2: {  	[smem:$0x3F9D] =	sst lr;
	_ =	strace $0xD0000000  }
0x3: {  	_ = 	snop  }
0x4: {  	_ = 	snop  }
0x5: {  	_ = 	snop  }
0x6: {  	_ = 	snop  }
0x7: {  	_ = 	snop  }
__scs_overlays_trampoline_lowered:
0x8: {  	[smem:$0x3FAC] =	sst s0  }
0x9: {  	[smem:$0x3FAD] =	sst s1  }
0xa: {  	[smem:$0x3FAE] =	sst s2  }
0xb: {  	[smem:$0x3FAF] =	sst s3  }
0xc: {  	[smem:$0x3FB0] =	sst s4  }
0xd: {  	[smem:$0x3FB1] =	sst s5  }
0xe: {  	[smem:$0x3FB2] =	sst s6  }
0xf: {  	[smem:$0x3FB3] =	sst s7  }
0x10: {  	[smem:$0x3FB4] =	sst s8  }
0x11: {  	[smem:$0x3FB5] =	sst s9;
	s0 =	simm.s32 @!p0 $0x0  }
0x12: {  	s1 =	sld [smem:$0x3F9B];
	s0 =	simm.s32 @p0 $0x1  }
0x13: {  	[smem:$0x3FB6] =	sst s0;
	s0 =	simm.s32 @!p1 $0x0  }
0x14: {  	s2 =	sld [smem:$0x3F9A];
	s0 =	simm.s32 @p1 $0x1  }
0x15: {  	[smem:$0x3FB7] =	sst s0;
	s0 =	simm.s32 @!p2 $0x0  }
0x16: {  	s3 =	sld [smem:$0x3FDB];
	s0 =	simm.s32 @p2 $0x1  }
0x17: {  	s4 =	simm.s32 $0x1BF5;
	[smem:$0x3FB9] =	sst s0  }
0x18: {  	s0 =	sld [smem:$0x3F9C];
	_ =	swait.ge [sflag:s4], $0x0  }
0x19: {  	s7 =	sld [smem:$0x3F9D]  }
0x1a: {  	s8 =	sadd.s32 $0xFFFFE003, lr  }
0x1b: {  	s9 =	sadd.s32 $0xFFFFFEF7, lr;
	s5 =	simm.s32 $0xFFFFFFFF;
	p2 =	slt.u32 s8, $0xFFFFF086  }
0x1c: {  	p1 =	slt.u32 s9, $0xF7A;
	s5 =	simm.s32 @!p2 $0x0  }
0x1d: {  	s5 =	simm.s32 @p1 $0x1;
	p0 =	seq.s32 s7, s2  }
0x1e: {  	s7 =	smul.u32 @!p0 $0xF7A, s2;
	p2 =	seq.s32 @!p0 s5, $0x0  }
0x1f: {  	s9 =	smul.u32 $0xF7A, s1;
	s8 =	simm.s32 @!p0 $0x1BF5;
	p2 =	por !p2, p0  }
0x20: {  	[sflag:s8] =	ssyncset.s32 @!p0 $0xFFFFF086;
	s6 =	sadd.s32 @!p0 s3, s7;
	s7 =	simm.s32 @!p0 $0x108  }
0x21: {  	s3 =	sadd.s32 s3, s9;
	s6 =	sadd.s32 @!p0 $0x88, s6;
	s7 =	simm.s32 @p2 $0x1082  }
0x22: {  	[simem:s7], [sflag:s8] =	dma.local @!p0 [hbm:s6], $0xF7A  }
0x23: {  	s9 =	sor.u32 $0xD0000000, s2;
	s6 =	simm.s32 $0x108;
	_ =	swait.ge @!p0 [sflag:s8], $0x0  }
0x24: {  	s3 =	sadd.s32 $0x88, s3;
	s6 =	simm.s32 @!p1 $0x1082;
	[sflag:s4] =	ssyncset.s32 $0xFFFFF086  }
0x25: {  	[simem:s6], [sflag:s4] =	dma.local [hbm:s3], $0xF7A  }
0x26: {  	[smem:$0x3F9D] =	sst s1;
	(tag) =	ssettag s2;
	_ =	strace s9  }
0x27: {  	s1 =	sld [smem:$0x3FAD]  }
0x28: {  	s2 =	sld [smem:$0x3FAE]  }
0x29: {  	s4 =	sld [smem:$0x3FB0]  }
0x2a: {  	p0 =	seq.s32 s5, $0x0;
	s5 =	sld [smem:$0x3FB1]  }
0x2b: {  	s6 =	sld [smem:$0x3FB2]  }
0x2c: {  	s7 =	sld [smem:$0x3FB3]  }
0x2d: {  	s3 =	simm.s32 $0x108;
	s8 =	sld [smem:$0x3FB4]  }
0x2e: {  	s3 =	simm.s32 @!p0 $0x1082;
	s9 =	sld [smem:$0x3FB5]  }
0x2f: {  	lr =	sadd.s32 s0, s3;
	s0 =	sld [smem:$0x3FAC]  }
0x30: {  	s3 =	sld [smem:$0x3FAF]  }
0x31: {  	[smem:$0x3FB8] =	sst s10  }
0x32: {  	s10 =	sld [smem:$0x3FB6];
	_ =	sdelay $0x3  }
0x33: {  	p0 =	seq.s32 s10, $0x1;
	s10 =	sld [smem:$0x3FB8];
	_ =	sdelay $0x3  }
0x34: {  	[smem:$0x3FB8] =	sst s10  }
0x35: {  	s10 =	sld [smem:$0x3FB7];
	_ =	sdelay $0x3  }
0x36: {  	p1 =	seq.s32 s10, $0x1;
	s10 =	sld [smem:$0x3FB8];
	_ =	sdelay $0x3  }
0x37: {  	[smem:$0x3FB8] =	sst s10  }
0x38: {  	s10 =	sld [smem:$0x3FB9]  }
0x39: {  	_ = 	snop;
	(pc) =	sbr.ind lr, $3  }
0x3a: {  	_ = 	snop  }
0x3b: {  	_ = 	snop  }
0x3c: {  	p2 =	seq.s32 s10, $0x1;
	s10 =	sld [smem:$0x3FB8]  }
0x3d: {  	_ =	shalt  }
0x3e: {  	_ =	shalt  }
0x3f: {  	_ =	shalt  }
0x40: {  	_ =	shalt  }
0x41: {  	_ =	shalt  }
0x42: {  	_ =	shalt  }
0x43: {  	_ =	shalt  }
0x44: {  	_ =	shalt  }
0x45: {  	_ =	shalt  }
0x46: {  	_ =	shalt  }
0x47: {  	_ =	shalt  }
0x48: {  	_ =	shalt  }
0x49: {  	_ =	shalt  }
0x4a: {  	_ =	shalt  }
0x4b: {  	_ =	shalt  }
0x4c: {  	_ =	shalt  }
0x4d: {  	_ =	shalt  }
0x4e: {  	_ =	shalt  }
0x4f: {  	_ =	shalt  }
0x50: {  	_ =	shalt  }
0x51: {  	_ =	shalt  }
0x52: {  	_ =	shalt  }
0x53: {  	_ =	shalt  }
0x54: {  	_ =	shalt  }
0x55: {  	_ =	shalt  }
0x56: {  	_ =	shalt  }
0x57: {  	_ =	shalt  }
0x58: {  	_ =	shalt  }
0x59: {  	_ =	shalt  }
0x5a: {  	_ =	shalt  }
0x5b: {  	_ =	shalt  }
0x5c: {  	_ =	shalt  }
0x5d: {  	_ =	shalt  }
0x5e: {  	_ =	shalt  }
0x5f: {  	_ =	shalt  }
0x60: {  	_ =	shalt  }
0x61: {  	_ =	shalt  }
0x62: {  	_ =	shalt  }
0x63: {  	_ =	shalt  }
0x64: {  	_ =	shalt  }
0x65: {  	_ =	shalt  }
0x66: {  	_ =	shalt  }
0x67: {  	_ =	shalt  }
0x68: {  	_ =	shalt  }
0x69: {  	_ =	shalt  }
0x6a: {  	_ =	shalt  }
0x6b: {  	_ =	shalt  }
0x6c: {  	_ =	shalt  }
0x6d: {  	_ =	shalt  }
0x6e: {  	_ =	shalt  }
0x6f: {  	_ =	shalt  }
0x70: {  	_ =	shalt  }
0x71: {  	_ =	shalt  }
0x72: {  	_ =	shalt  }
0x73: {  	_ =	shalt  }
0x74: {  	_ =	shalt  }
0x75: {  	_ =	shalt  }
0x76: {  	_ =	shalt  }
0x77: {  	_ =	shalt  }
0x78: {  	_ =	shalt  }
0x79: {  	_ =	shalt  }
0x7a: {  	_ =	shalt  }
0x7b: {  	_ =	shalt  }
0x7c: {  	_ =	shalt  }
0x7d: {  	_ =	shalt  }
0x7e: {  	_ =	shalt  }
0x7f: {  	_ =	shalt  }
0x80: {  	_ =	shalt  }
0x81: {  	_ =	shalt  }
0x82: {  	_ =	shalt  }
0x83: {  	_ =	shalt  }
0x84: {  	_ =	shalt  }
0x85: {  	_ =	shalt  }
0x86: {  	_ =	shalt  }
0x87: {  	_ =	shalt  }
.Lfunc_end0:
.L_simem_size_0:
called_computation_lowered:
.L_overlay_start_0:
0x88: {  	s2 =	sld [smem:$0x3FD9]  }
0x89: {  	s3 =	sld [smem:$0x3FFE];
	_ =	sdelay $0x1  }
0x8a: {  	s1 =	srdreg.scid  }
0x8b: {  	s0 =	sand.u32 $0x1, s1  }
0x8c: {  	s17 =	sshll.u32 s0, $0xA;
	s2 =	sadd.s32 s3, s2  }
0x8d: {  	s2 =	sadd.s32 s2, s17  }
0x8e: {  	[smem:$0x3FC4] =	sst s2  }
0x8f: {  	_ = 	snop  }
0x90: {  	s2 =	sld [smem:$0x3FC9]  }
0x91: {  	s18 =	sld [smem:$0x3FC7];
	(tm) =	ssettm $0x1  }
0x92: {  	s4 =	sld [smem:$0x3FFB];
	_ =	sdelay $0x3  }
0x93: {  	_ =	strace s4  }
0x94: {  	s4 =	sld [smem:$0x3FFC];
	_ =	sdelay $0x3  }
0x95: {  	_ =	strace s4  }
0x96: {  	s4 =	sld [smem:$0x3FFD];
	_ =	sdelay $0x3  }
0x97: {  	_ =	strace s4  }
0x98: {  	_ =	strace $0x8FFFFFFF  }
0x99: {  	s19 =	sld [smem:$0x3FDB];
	_ =	sdelay $0x1  }
0x9a: {  	s5 =	simm.s32 $_scs_section_size  }
0x9b: {  	s6 =	simm.s32 $_size__tile_overlayer_lowered;
	s7 =	simm.s32 $_tile_overlayer_lowered  }
0x9c: {  	s22 =	simm.s32 $0x1BFF;
	s21 =	sshll.u32 s7, $0x1;
	s4 =	sadd.s32 s5, s19  }
0x9d: {  	s8 =	simm.s32 $0x0;
	s20 =	sshll.u32 s6, $0x1;
	s6 =	sadd.s32 s21, s4  }
0x9e: {  	[timem:s8], [sflag:s22] =	dma.local [hbm:s6], s20  }
0x9f: {  	_ =	swait.ge [sflag:s22], s20  }
0xa0: {  	s5 =	ssub.s32 $0x0, s20;
	[sflag:s22] =	ssyncset.done $0x0  }
0xa1: {  	[sflag:s22] =	ssyncadd.s32 s5;
	_ =	sdelay $0x1  }
0xa2: {  	s23 =	simm.s32 $0x1B8B  }
0xa3: {  	_ =	swait.ge [sflag:s23], $0x1  }
0xa4: {  	[sflag:s23] =	ssyncset.done $0x0  }
0xa5: {  	s25 =	simm.s32 $0x1B8E;
	s24 =	sld [smem:$0x3FFE];
	[sflag:s23] =	ssyncadd.s32 $0xFFFFFFFF  }
0xa6: {  	s26 =	simm.s32 $execute0_lowered;
	[smem:$0x3FD2] =	sst s25  }
0xa7: {  	s6 =	sshll.u32 s26, $0x1;
	_ =	strace $0x80000046;
	[dreg:$0x1] =	wrdreg $0xFFFFFFFF  }
0xa8: {  	s28 =	simm.s32 $_size_execute0_lowered;
	s4 =	sadd.s32 s4, s6;
	[dreg:$0x0] =	wrdreg $0x0  }
0xa9: {  	s6 =	sshll.u32 s28, $0x1;
	[dreg:$0x2] =	wrdreg s4  }
0xaa: {  	[dreg:$0x3] =	wrdreg s6  }
0xab: {  	[dreg:$0x4] =	wrdreg $0xC0  }
0xac: {  	_ =	task [dreg:s8], $0x5FFFF  }
0xad: {  	[dreg:$0x1] =	wrdreg $0xFFFFFFFF  }
0xae: {  	[dreg:$0x0] =	wrdreg $0x60  }
0xaf: {  	[dreg:$0x2] =	wrdreg s2  }
0xb0: {  	[dreg:$0x3] =	wrdreg s24  }
0xb1: {  	[dreg:$0x4] =	wrdreg s18  }
0xb2: {  	[dreg:$0x5] =	wrdreg $0x0  }
0xb3: {  	[dreg:$0x6] =	wrdreg $0x9  }
0xb4: {  	_ =	task.clear_ibuf [dreg:s8], $0x7FFFF;
	_ =	strace $0x90000046  }
0xb5: {  	s29 =	simm.s32 $0x9;
	_ =	strace $0x80000048  }
0xb6: {  	_ =	swait.ge [sflag:s29], $0x1  }
0xb7: {  	[sflag:s29] =	ssyncadd.s32 $0xFFFFFFFF  }
0xb8: {  	_ =	strace $0x90000048  }
0xb9: {  	_ =	sfence  }
0xba: {  	s30 =	sld [smem:$0x0];
	_ =	sdelay $0x2  }
0xbb: {  	s31 =	sshll.u32 s1, $0xD;
	s1 =	sshrl.u32 s1, $0x2  }
0xbc: {  	s3 =	sand.u32 $0x4000, s31;
	s1 =	sadd.s32 s1, s30  }
0xbd: {  	s0 =	sor.u32 s3, s0;
	s1 =	sshll.u32 s1, $0x11  }
0xbe: {  	s0 =	sor.u32 s1, s0  }
0xbf: {  	s0 =	sadd.s32 $0x8F2B, s0  }
0xc0: {  	[sflag:s0] =	ssyncadd.remote.s32 $0x1  }
0xc1: {  	_ =	sfence.sel $0xFFFF  }
0xc2: {  	[dreg:$0x0] =	wrdreg $0xFFFFFFFF;
	(pc) =	sbr.abs _section_cstart, $3  }
0xc3: {  	[dreg:$0x1] =	wrdreg $0xFFFFFFFF  }
0xc4: {  	_ =	task.clear_ibuf [dreg:s8], $0x2FFFF;
	_ =	strace $0x9FFFFFFF  }
0xc5: {  	(tm) =	ssettm $0x7FFFFFFF  }
tec
execute0_lowered:
.L_overlay_start_1:
0x0: {  	(tag) =	ssettag $0x1  }
0x1: {  	s4 =	rddreg [dreg:$0x0]  }
0x2: {  	s16 =	rddreg [dreg:$0x1]  }
0x3: {  	s5 =	rddreg [dreg:$0x2]  }
0x4: {  	s6 =	rddreg [dreg:$0x3]  }
0x5: {  	s0 =	rddreg [dreg:$0x4]  }
0x6: {  	s2 =	simm.s32 $0x0;
	s1 =	stileid.u32;
	s8 =	simm.s32 $0x100  }
0x7: {  	[smem:$0x7FF] =	sst s2;
	s11 =	sadd.s32 $0xE00, s16;
	s3 =	sshll.u32 s1, $0x5  }
0x8: {  	_ =	strace $0x80000047;
	s7 =	sadd.s32 s11, s3;
	s3 =	simm.s32 $0x2  }
0x9: {  	[tilespmem:s8], [sflag:$0x2] =	stream.linear.gather [hbm4b:s7+s2], $0x80, $0x38;
	[tilespmem:$0x400] =	vst v63  }
0xa: {  	s12 =	sshll.u32 s1, $0x8;
	_ =	swait.ge [sflag:s3], $0x80  }
0xb: {  	v15 =	vlaneseq.u32;
	s9 =	sor.u32 $0x70, s12;
	[sflag:s3] =	ssyncset.done $0x0  }
0xc: {  	s10 =	sor.u32 $0x60, s12;
	v0 =	vor.u32 s9, v15;
	[sflag:s3] =	ssyncadd.s32 $0xFFFFFF80  }
0xd: {  	s17 =	sor.u32 $0x50, s12;
	v1 =	vor.u32 s10, v15;
	[tilespmem:$0x1F0] =	vst v0  }
0xe: {  	s18 =	sor.u32 $0x40, s12;
	v2 =	vor.u32 s17, v15;
	[tilespmem:$0x1E0] =	vst v1  }
0xf: {  	s19 =	sor.u32 $0x30, s12;
	v3 =	vor.u32 s18, v15;
	[tilespmem:$0x1D0] =	vst v2  }
0x10: {  	s20 =	sor.u32 $0x20, s12;
	v4 =	vor.u32 s19, v15;
	[tilespmem:$0x1C0] =	vst v3  }
0x11: {  	v5 =	vor.u32 s20, v15;
	[tilespmem:$0x1B0] =	vst v4  }
0x12: {  	v6 =	vor.u32 s12, v15;
	s21 =	sor.u32 $0x10, s12;
	[tilespmem:$0x1A0] =	vst v5  }
0x13: {  	v7 =	vor.u32 s21, v15;
	[tilespmem:$0x180] =	vst v6  }
0x14: {  	s9 =	simm.s32 $0x80;
	s10 =	simm.s32 $0x180;
	[tilespmem:$0x190] =	vst v7  }
0x15: {  	[spmem:s6] =	stream.indirect.scatter [tilespmem:s10], [sflag:$0x2], $0x1, s8, s9, $0xb8;
	[tilespmem:$0x400] =	vst v63  }
0x16: {  	s13 =	sor.u32 $0x80, s12;
	_ =	swait.ge [sflag:s3], $0x80  }
0x17: {  	s14 =	sshrl.u32 s13, $0x3;
	[sflag:s3] =	ssyncset.done $0x0  }
0x18: {  	s11 =	sadd.s32 s11, s14;
	[sflag:s3] =	ssyncadd.s32 $0xFFFFFF80  }
0x19: {  	[tilespmem:s8], [sflag:$0x2] =	stream.linear.gather [hbm4b:s11+s2], $0x80, $0x38;
	[tilespmem:$0x400] =	vst v63  }
0x1a: {  	_ =	swait.ge [sflag:s3], $0x80  }
0x1b: {  	[sflag:s3] =	ssyncset.done $0x0  }
0x1c: {  	s22 =	sor.u32 $0xF0, s12;
	v8 =	vor.u32 s13, v15;
	[sflag:s3] =	ssyncadd.s32 $0xFFFFFF80  }
0x1d: {  	s23 =	sor.u32 $0xE0, s12;
	v9 =	vor.u32 s22, v15;
	[tilespmem:$0x180] =	vst v8  }
0x1e: {  	s24 =	sor.u32 $0xC0, s12;
	v10 =	vor.u32 s23, v15;
	[tilespmem:$0x1F0] =	vst v9  }
0x1f: {  	s25 =	sor.u32 $0xD0, s12;
	v11 =	vor.u32 s24, v15;
	[tilespmem:$0x1E0] =	vst v10  }
0x20: {  	s26 =	sor.u32 $0xA0, s12;
	v12 =	vor.u32 s25, v15;
	[tilespmem:$0x1C0] =	vst v11  }
0x21: {  	s28 =	sor.u32 $0x90, s12;
	v13 =	vor.u32 s26, v15;
	[tilespmem:$0x1D0] =	vst v12  }
0x22: {  	s29 =	sor.u32 $0xB0, s12;
	v14 =	vor.u32 s28, v15;
	[tilespmem:$0x1A0] =	vst v13  }
0x23: {  	v15 =	vor.u32 s29, v15;
	[tilespmem:$0x190] =	vst v14  }
0x24: {  	s30 =	srdreg.scid;
	[tilespmem:$0x1B0] =	vst v15  }
0x25: {  	[spmem:s6] =	stream.indirect.scatter [tilespmem:s10], [sflag:$0x2], $0x1, s8, s9, $0xb8;
	[tilespmem:$0x400] =	vst v63  }
0x26: {  	s31 =	sand.u32 $0x1, s30;
	_ =	swait.ge [sflag:s3], $0x80  }
0x27: {  	s15 =	simm.s32 $0x200;
	s13 =	sshll.u32 s31, $0x7;
	[sflag:s3] =	ssyncset.done $0x0  }
0x28: {  	s18 =	ssub.s32 $0x2, s31;
	s17 =	sor.u32 s13, s12;
	[sflag:s3] =	ssyncadd.s32 $0xFFFFFF80  }
0x29: {  	s19 =	sshrl.u32 s18, $0x1;
	s13 =	sadd.s32 s17, s6;
	[bflag:$0x0] =	sbarrier.arrive $0xFFFF  }
0x2a: {  	[tilespmem:s15], [sflag:$0x2] =	stream.linear.gather [spmem:s13], $0x80, $0x38;
	[tilespmem:$0x400] =	vst v63  }
0x2b: {  	s18 =	ssub.s32 s18, s19;
	_ =	swait.ge [sflag:s3], $0x80  }
0x2c: {  	s20 =	sadd.s32 $0x1000, s16;
	s21 =	smax.u32 s18, $0x1;
	[sflag:s3] =	ssyncset.done $0x0  }
0x2d: {  	s12 =	simm.s32 $0x280;
	p0 =	sne.s32 s21, $0x1;
	[sflag:s3] =	ssyncadd.s32 $0xFFFFFF80  }
0x2e: {  	[tilespmem:s12], [sflag:$0x1] =	stream.indirect.gather [hbm4b:s4+s9], $0x1, s15, s9, $0xb8;
	[tilespmem:$0x400] =	vst v63  }
.Ltmp0:
0x2f: {  	s14 =	simm.s32 $0x1;
	s17 =	sshrl.u32 s17, $0x3;
	(pc) =	sbr.rel @!p0 .LBB2_2-.Ltmp0, $4  }
0x30: {  	s19 =	simm.s32 $0x300;
	s17 =	sadd.s32 s17, s16;
	_ =	swait.ge [sflag:s14], $0x80  }
0x31: {  	s18 =	sadd.s32 $0x1FC00, s17;
	s16 =	sadd.s32 $0x1FA00, s17;
	[sflag:s14] =	ssyncset.done $0x0  }
0x32: {  	s17 =	simm.s32 $0x380;
	s21 =	sadd.s32 $0xFFFFFFFF, s21;
	[sflag:s14] =	ssyncadd.s32 $0xFFFFFF80  }
0x33: {  	[tilespmem:s19], [sflag:$0x1] =	stream.indirect.gather [hbm4b:s5+s9], $0x1, s15, s9, $0xb8;
	[tilespmem:$0x400] =	vst v63  }
.LBB2_1:
0x34: {  	p0 =	sne.s32 s21, $0x1;
	s21 =	sadd.s32 $0xFFFFFFFF, s21;
	_ =	swait.ge [sflag:s14], $0x80  }
0x35: {  	[sflag:s14] =	ssyncset.done $0x0  }
0x36: {  	[sflag:s14] =	ssyncadd.s32 $0xFFFFFF80  }
0x37: {  	[tilespmem:s17], [sflag:$0x1] =	stream.indirect.gather [hbm4b:s20+s9], $0x1, s19, s9, $0xb8;
	[tilespmem:$0x400] =	vst v63  }
0x38: {  	_ =	swait.ge [sflag:s14], $0x80  }
0x39: {  	[sflag:s14] =	ssyncset.done $0x0  }
0x3a: {  	[sflag:s14] =	ssyncadd.s32 $0xFFFFFF80  }
0x3b: {  	[hbm4b:s18+s2] =	stream.linear.scatter [tilespmem:s12], [sflag:$0x2], $0x80, $0x38;
	[tilespmem:$0x400] =	vst v63  }
0x3c: {  	_ =	swait.ge [sflag:s3], $0x80  }
0x3d: {  	[sflag:s3] =	ssyncset.done $0x0  }
0x3e: {  	[sflag:s3] =	ssyncadd.s32 $0xFFFFFF80  }
0x3f: {  	[hbm4b:s16+s2] =	stream.linear.scatter [tilespmem:s17], [sflag:$0x2], $0x80, $0x38;
	[tilespmem:$0x400] =	vst v63  }
0x40: {  	_ =	swait.ge [sflag:s3], $0x80  }
0x41: {  	[sflag:s3] =	ssyncset.done $0x0  }
0x42: {  	[sflag:s3] =	ssyncadd.s32 $0xFFFFFF80  }
0x43: {  	[tilespmem:s8], [sflag:$0x2] =	stream.linear.gather [hbm4b:s7+s2], $0x80, $0x38;
	[tilespmem:$0x400] =	vst v63  }
0x44: {  	_ =	swait.ge [sflag:s3], $0x80  }
0x45: {  	[sflag:s3] =	ssyncset.done $0x0  }
0x46: {  	[sflag:s3] =	ssyncadd.s32 $0xFFFFFF80  }
0x47: {  	[tilespmem:$0x1F0] =	vst v0  }
0x48: {  	[tilespmem:$0x1E0] =	vst v1  }
0x49: {  	[tilespmem:$0x1D0] =	vst v2  }
0x4a: {  	[tilespmem:$0x1C0] =	vst v3  }
0x4b: {  	[tilespmem:$0x1B0] =	vst v4  }
0x4c: {  	[tilespmem:$0x1A0] =	vst v5  }
0x4d: {  	[tilespmem:$0x180] =	vst v6  }
0x4e: {  	[tilespmem:$0x190] =	vst v7  }
0x4f: {  	[spmem:s6] =	stream.indirect.scatter [tilespmem:s10], [sflag:$0x2], $0x1, s8, s9, $0xb8;
	[tilespmem:$0x400] =	vst v63  }
0x50: {  	_ =	swait.ge [sflag:s3], $0x80  }
0x51: {  	[sflag:s3] =	ssyncset.done $0x0  }
0x52: {  	[sflag:s3] =	ssyncadd.s32 $0xFFFFFF80  }
0x53: {  	[tilespmem:s8], [sflag:$0x2] =	stream.linear.gather [hbm4b:s11+s2], $0x80, $0x38;
	[tilespmem:$0x400] =	vst v63  }
0x54: {  	_ =	swait.ge [sflag:s3], $0x80  }
0x55: {  	[sflag:s3] =	ssyncset.done $0x0  }
0x56: {  	[sflag:s3] =	ssyncadd.s32 $0xFFFFFF80  }
0x57: {  	[tilespmem:$0x180] =	vst v8  }
0x58: {  	[tilespmem:$0x1F0] =	vst v9  }
0x59: {  	[tilespmem:$0x1E0] =	vst v10  }
0x5a: {  	[tilespmem:$0x1C0] =	vst v11  }
0x5b: {  	[tilespmem:$0x1D0] =	vst v12  }
0x5c: {  	[tilespmem:$0x1A0] =	vst v13  }
0x5d: {  	[tilespmem:$0x190] =	vst v14  }
0x5e: {  	[tilespmem:$0x1B0] =	vst v15  }
0x5f: {  	[spmem:s6] =	stream.indirect.scatter [tilespmem:s10], [sflag:$0x2], $0x1, s8, s9, $0xb8;
	[tilespmem:$0x400] =	vst v63  }
0x60: {  	_ =	swait.ge [sflag:s3], $0x80  }
0x61: {  	[sflag:s3] =	ssyncset.done $0x0  }
0x62: {  	[sflag:s3] =	ssyncadd.s32 $0xFFFFFF80  }
0x63: {  	[bflag:$0x0] =	sbarrier.arrive $0xFFFF  }
0x64: {  	[tilespmem:s15], [sflag:$0x2] =	stream.linear.gather [spmem:s13], $0x80, $0x38;
	[tilespmem:$0x400] =	vst v63  }
0x65: {  	_ =	swait.ge [sflag:s3], $0x80  }
0x66: {  	[sflag:s3] =	ssyncset.done $0x0  }
0x67: {  	[sflag:s3] =	ssyncadd.s32 $0xFFFFFF80  }
0x68: {  	[tilespmem:s12], [sflag:$0x1] =	stream.indirect.gather [hbm4b:s4+s9], $0x1, s15, s9, $0xb8;
	[tilespmem:$0x400] =	vst v63  }
.Ltmp1:
0x69: {  	_ = 	snop;
	(pc) =	sbr.rel @p0 .LBB2_1-.Ltmp1, $4  }
0x6a: {  	_ =	swait.ge [sflag:s14], $0x80  }
0x6b: {  	[sflag:s14] =	ssyncset.done $0x0  }
0x6c: {  	[sflag:s14] =	ssyncadd.s32 $0xFFFFFF80  }
0x6d: {  	[tilespmem:s19], [sflag:$0x1] =	stream.indirect.gather [hbm4b:s5+s9], $0x1, s15, s9, $0xb8;
	[tilespmem:$0x400] =	vst v63  }
.LBB2_2:
0x6e: {  	_ =	swait.ge [sflag:s14], $0x80  }
0x6f: {  	[sflag:s14] =	ssyncset.done $0x0  }
0x70: {  	[sflag:s14] =	ssyncadd.s32 $0xFFFFFF80  }
0x71: {  	[tilespmem:s17], [sflag:$0x1] =	stream.indirect.gather [hbm4b:s20+s9], $0x1, s19, s9, $0xb8;
	[tilespmem:$0x400] =	vst v63  }
0x72: {  	_ =	swait.ge [sflag:s14], $0x80  }
0x73: {  	[sflag:s14] =	ssyncset.done $0x0  }
0x74: {  	[sflag:s14] =	ssyncadd.s32 $0xFFFFFF80  }
0x75: {  	[hbm4b:s18+s2] =	stream.linear.scatter [tilespmem:s12], [sflag:$0x2], $0x80, $0x38;
	[tilespmem:$0x400] =	vst v63  }
0x76: {  	_ =	swait.ge [sflag:s3], $0x80  }
0x77: {  	[sflag:s3] =	ssyncset.done $0x0  }
0x78: {  	[sflag:s3] =	ssyncadd.s32 $0xFFFFFF80  }
0x79: {  	[hbm4b:s16+s2] =	stream.linear.scatter [tilespmem:s17], [sflag:$0x2], $0x80, $0x38;
	[tilespmem:$0x400] =	vst v63  }
0x7a: {  	_ =	swait.ge [sflag:s3], $0x80  }
0x7b: {  	[sflag:s3] =	ssyncset.done $0x0  }
0x7c: {  	[sflag:s3] =	ssyncadd.s32 $0xFFFFFF80  }
0x7d: {  	_ =	sfence.sel $0x180000  }
0x7e: {  	[bflag:$0x0] =	sbarrier.arrive $0xFFFF  }
0x7f: {  	p0 =	sne.s32 s1, $0x0;
	_ =	strace $0x90000047  }
0x80: {  	s0 =	sadd.s32 @!p0 $0x100000, s0;
	[bflag:$0x2] =	sbarrier.arrive $0xFFFF  }
0x81: {  	[sflag:s0] =	ssyncadd.tile.s32 @!p0 $0x1;
	_ =	shalt  }
.Lfunc_end2:
_tile_overlayer_lowered:
.L_overlay_start_2:
0x82: {  	(tag) =	ssettag $0x2  }
0x83: {  	s0 =	rddreg [dreg:$0x0];
	s2 =	stileid.u32  }
0x84: {  	s1 =	rddreg [dreg:$0x1];
	p0 =	sne.s32 s2, $0x0  }
0x85: {  	s3 =	rddreg [dreg:$0x2];
	[bflag:$0x3] =	sbarrier.arrive $0xFFFF;
	s2 =	simm.s32 @!p0 $0x1C02  }
0x86: {  	[timem:s3], [sflag:s2] =	dma.local @!p0 [hbm:s0], s1  }
0x87: {  	s0 =	simm.s32 @!p0 $0x2  }
0x88: {  	_ =	swait.ge @!p0 [sflag:s0], s1  }
0x89: {  	s1 =	ssub.s32 @!p0 $0x0, s1;
	[sflag:s0] =	ssyncset.done @!p0 $0x0  }
0x8a: {  	[sflag:s0] =	ssyncadd.s32 @!p0 s1  }
0x8b: {  	[bflag:$0x3] =	sbarrier.arrive $0xFFFF  }
0x8c: {  	_ =	shalt  }

</sc_bundles>
